<compile_context>
chip_gen: v7x
topology: tpu7x:2x2x1
jax: 0.10.2.dev20260603
libtpu: 0.0.44.dev20260713+nightly
codegen_flags: <defaults>
</compile_context>

<pallas_src>
import dataclasses
import functools

import jax
import jax.numpy as jnp
from jax import lax
from jax.experimental import pallas as pl
from jax.experimental.pallas import tpu as pltpu
from jax.experimental.pallas import tpu_sc as plsc

_DIM = 32
_W = 400

try:
    _info = plsc.get_sparse_core_info()
    _NUM_CORES, _NUM_SUBCORES = _info.num_cores, _info.num_subcores
except Exception:
    _NUM_CORES, _NUM_SUBCORES = 2, 16


def kernel(x, table):
    batch, length = x.shape
    n = batch * length
    vocab, dim = table.shape

    workers = _NUM_CORES * _NUM_SUBCORES
    per_worker = n // workers
    n_chunks = per_worker // _W
    n_b = _W // length
    assert per_worker % _W == 0 and n_chunks % 2 == 0 and _W % length == 0

    mesh = plsc.VectorSubcoreMesh(core_axis_name="c", subcore_axis_name="s")

    cp = pltpu.CompilerParams()
    fields = pltpu.CompilerParams.__dataclass_fields__
    if "needs_layout_passes" in fields:
        cp = dataclasses.replace(cp, needs_layout_passes=False)
    if "use_tc_tiling_on_sc" in fields:
        cp = dataclasses.replace(cp, use_tc_tiling_on_sc=False)

    @functools.partial(
        pl.kernel,
        mesh=mesh,
        compiler_params=cp,
        out_type=jax.ShapeDtypeStruct((batch, length, dim), table.dtype),
        scratch_types=[
            pltpu.VMEM((n_b, length), jnp.int32),
            pltpu.VMEM((n_b, length), jnp.int32),
            pltpu.VMEM((_W,), jnp.int32),
            pltpu.VMEM((_W,), jnp.int32),
            pltpu.VMEM((_W, _DIM), jnp.float32),
            pltpu.VMEM((_W, _DIM), jnp.float32),
            pltpu.SemaphoreType.DMA,
            pltpu.SemaphoreType.DMA,
            pltpu.SemaphoreType.DMA,
            pltpu.SemaphoreType.DMA,
            pltpu.SemaphoreType.DMA,
            pltpu.SemaphoreType.DMA,
        ],
    )
    def gather_kernel(table_hbm, idx_hbm, out_hbm,
                      xi_a, xi_b, hi_a, hi_b, ob_a, ob_b,
                      xs_a, xs_b, gs_a, gs_b, os_a, os_b):
        wid = lax.axis_index("s") * _NUM_CORES + lax.axis_index("c")
        base_b = wid * (per_worker // length)

        X = (xi_a, xi_b)
        HI = (hi_a, hi_b)
        OB = (ob_a, ob_b)
        XS = (xs_a, xs_b)
        GS = (gs_a, gs_b)
        OS = (os_a, os_b)

        def x_copy(c, p):
            off = pl.multiple_of(base_b + c * n_b, n_b)
            return pltpu.make_async_copy(
                idx_hbm.at[pl.ds(off, n_b)], X[p], XS[p])

        def g_copy(p):
            return pltpu.make_async_copy(table_hbm.at[HI[p]], OB[p], GS[p])

        def o_copies(c, p):
            cb = base_b + c * n_b
            return [
                pltpu.make_async_copy(
                    OB[p].at[pl.ds(k * length, length)],
                    out_hbm.at[cb + k], OS[p])
                for k in range(n_b)
            ]

        def o_start(c, p):
            for cp_ in o_copies(c, p):
                cp_.start()

        def o_wait(c, p):
            for cp_ in o_copies(c, p):
                cp_.wait()

        row_windows = [0, 16, 32, length - 16]

        def flatten_idx(p):
            for r in range(n_b):
                for w in row_windows:
                    HI[p][pl.ds(r * length + w, 16)] = X[p][r, pl.ds(w, 16)]

        def step(c, p, i, first_pair, near_end):
            q = 1 - p
            x_copy(c, p).wait()
            flatten_idx(p)

            @pl.when(i >= 1)
            def _():
                o_wait(c - 2, p)

            g_copy(p).start()
            if near_end is None:
                x_copy(c + 1, q).start()
            else:
                @pl.when(i < n_chunks // 2 - 1)
                def _():
                    x_copy(c + 1, q).start()

            def tail():
                g_copy(q).wait()
                o_start(c - 1, q)

            if first_pair is not None:
                @pl.when(i >= 1)
                def _():
                    tail()
            else:
                tail()

        x_copy(0, 0).start()

        @pl.loop(0, n_chunks // 2)
        def _(i):
            c_even = i * 2
            step(c_even, 0, i, first_pair=True, near_end=None)
            step(c_even + 1, 1, i, first_pair=None, near_end=True)

        last = n_chunks - 1
        p_last = last % 2
        g_copy(p_last).wait()
        o_start(last, p_last)
        o_wait(last - 1, 1 - p_last)
        o_wait(last, p_last)

    return gather_kernel(table, x)

# --- scband reference (transcript-rebuilt; emitter-appended) ---
"""Pipeline reference for scband-embed-69217692942476 (READ-ONLY COPY).

The authoritative reference and input builder live on the scoring server;
editing this copy changes nothing except your own understanding.
"""

import jax, jax.numpy as jnp
import numpy as np

VOCAB = 1000000
EMBED_DIM = 32
MAX_LENGTH = 50
BATCH = 16384

def setup_inputs(seed: int = 0) -> dict:
    key = jax.random.key(seed)
    k_idx, k_tab = jax.random.split(key)
    x = jax.random.randint(k_idx, (BATCH, MAX_LENGTH), 0, VOCAB, dtype=jnp.int64 if jax.config.jax_enable_x64 else jnp.int32)
    table = jax.random.normal(k_tab, (VOCAB, EMBED_DIM), dtype=jnp.float32)
    return {"x": x, "table": table}

def reference(x, table):
    # Embedding lookup followed by view(-1, max_length, embedding_dim)
    emb = jnp.take(table, x, axis=0)  # [B, L, D]
    return emb.reshape(-1, MAX_LENGTH, EMBED_DIM)

if __name__ == "__main__":
    import jax
    _d = setup_inputs()
    print(jax.jit(kernel)(*tuple(_d.values())))

</pallas_src>

<mosaic_0001>
#map = affine_map<(d0, d1) -> (0, 0)>
#map1 = affine_map<(d0, d1) -> (0, 0, 0)>
module attributes {stable_mosaic.version = 14 : i64} {
  func.func @gather_kernel(%arg0: i32, %arg1: i32, %arg2: memref<1000000x32xf32, #tpu.memory_space<hbm>>, %arg3: memref<16384x50xi32, #tpu.memory_space<hbm>>, %arg4: memref<16384x50x32xf32, #tpu.memory_space<hbm>>, %arg5: memref<8x50xi32, #tpu.memory_space<vmem>>, %arg6: memref<8x50xi32, #tpu.memory_space<vmem>>, %arg7: memref<400xi32, #tpu.memory_space<vmem>>, %arg8: memref<400xi32, #tpu.memory_space<vmem>>, %arg9: memref<400x32xf32, #tpu.memory_space<vmem>>, %arg10: memref<400x32xf32, #tpu.memory_space<vmem>>, %arg11: memref<!tpu.dma_semaphore, #tpu.memory_space<semaphore_mem>>, %arg12: memref<!tpu.dma_semaphore, #tpu.memory_space<semaphore_mem>>, %arg13: memref<!tpu.dma_semaphore, #tpu.memory_space<semaphore_mem>>, %arg14: memref<!tpu.dma_semaphore, #tpu.memory_space<semaphore_mem>>, %arg15: memref<!tpu.dma_semaphore, #tpu.memory_space<semaphore_mem>>, %arg16: memref<!tpu.dma_semaphore, #tpu.memory_space<semaphore_mem>>) attributes {dimension_semantics = [#tpu.dimension_semantics<core_parallel>, #tpu.dimension_semantics<subcore_parallel>], iteration_bounds = array<i64: 2, 16>, scalar_prefetch = 0 : i64, scratch_operands = 12 : i64, tpu.core_type = #tpu.core_type<sc_vector_subcore>, window_params = [{transform_indices = #map}, {transform_indices = #map}, {transform_indices = #map1}]} {
    %mul3A = arith.constant 2 : i32
    %mul3A_0 = arith.muli %arg1, %mul3A : i32
    %add3A = arith.addi %mul3A_0, %arg0 : i32
    %mul3A_1 = arith.constant 512 : i32
    %mul3A_2 = arith.muli %add3A, %mul3A_1 : i32
    %add3A_3 = arith.constant 0 : i32
    %add3A_4 = arith.addi %mul3A_2, %add3A_3 : i32
    %multiple_of3A = tpu.assume_multiple %add3A_4, 8 : i32
    %dma_start3A = arith.constant 0 : i32
    %dma_start3A_5 = tpu.memref_slice %arg3[%multiple_of3A, %dma_start3A] : memref<16384x50xi32, #tpu.memory_space<hbm>> -> memref<8x50xi32, #tpu.memory_space<hbm>>
    %dma_start3A_6 = arith.constant 0 : i32
    %dma_start3A_7 = tpu.memref_slice %arg3[%multiple_of3A, %dma_start3A_6] : memref<16384x50xi32, #tpu.memory_space<hbm>> -> memref<8x50xi32, #tpu.memory_space<hbm>>
    tpu.enqueue_dma source(%dma_start3A_7 : memref<8x50xi32, #tpu.memory_space<hbm>>) target(%arg5 : memref<8x50xi32, #tpu.memory_space<vmem>>) target_semaphore(%arg11 : memref<!tpu.dma_semaphore, #tpu.memory_space<semaphore_mem>>)
    %scan3A = arith.constant 0 : i32
    %scan3A_8 = arith.constant 32 : i32
    %scan3A_9 = arith.addi %scan3A, %scan3A_8 : i32
    %scan3A_10 = arith.constant 1 : i32
    scf.for %scan3A_404 = %scan3A to %scan3A_9 step %scan3A_10  : i32 {
      %mul3A_405 = arith.constant 1 : i32
      %mul3A_406 = arith.muli %scan3A_404, %mul3A_405 : i32
      %add3A_407 = arith.constant 0 : i32
      %add3A_408 = arith.addi %add3A_407, %mul3A_406 : i32
      %mul3A_409 = arith.constant 2 : i32
      %mul3A_410 = arith.muli %add3A_408, %mul3A_409 : i32
      %mul3A_411 = arith.constant 8 : i32
      %mul3A_412 = arith.muli %mul3A_410, %mul3A_411 : i32
      %add3A_413 = arith.addi %mul3A_2, %mul3A_412 : i32
      %multiple_of3A_414 = tpu.assume_multiple %add3A_413, 8 : i32
      %dma_wait3A_415 = arith.constant 0 : i32
      %dma_wait3A_416 = tpu.memref_slice %arg3[%multiple_of3A_414, %dma_wait3A_415] : memref<16384x50xi32, #tpu.memory_space<hbm>> -> memref<8x50xi32, #tpu.memory_space<hbm>>
      %dma_wait3A_417 = arith.constant 0 : i32
      %dma_wait3A_418 = tpu.memref_slice %arg3[%multiple_of3A_414, %dma_wait3A_417] : memref<16384x50xi32, #tpu.memory_space<hbm>> -> memref<8x50xi32, #tpu.memory_space<hbm>>
      tpu.wait_dma2 semaphore(%arg11 : memref<!tpu.dma_semaphore, #tpu.memory_space<semaphore_mem>>) src(%dma_wait3A_418 : memref<8x50xi32, #tpu.memory_space<hbm>>) dst(%arg5 : memref<8x50xi32, #tpu.memory_space<vmem>>)
      %get3A = arith.constant 0 : i32
      %get3A_419 = arith.index_cast %get3A : i32 to index
      %get3A_420 = arith.constant 0 : index
      %get3A_421 = tpu.vector_load %arg5[%get3A_419, %get3A_420] {strides = array<i32>} : memref<8x50xi32, #tpu.memory_space<vmem>>, vector<16xi32>,
      %swap3A = arith.constant 0 : index
      %swap3A_422 = tpu.vector_load %arg7[%swap3A] {strides = array<i32>} : memref<400xi32, #tpu.memory_space<vmem>>, vector<16xi32>,
      tpu.vector_store %arg7[%swap3A], %get3A_421 {strides = array<i32>} : memref<400xi32, #tpu.memory_space<vmem>>, vector<16xi32>,
      %get3A_423 = arith.constant 0 : i32
      %get3A_424 = arith.index_cast %get3A_423 : i32 to index
      %get3A_425 = arith.constant 16 : index
      %get3A_426 = tpu.vector_load %arg5[%get3A_424, %get3A_425] {strides = array<i32>} : memref<8x50xi32, #tpu.memory_space<vmem>>, vector<16xi32>,
      %swap3A_427 = arith.constant 16 : index
      %swap3A_428 = tpu.vector_load %arg7[%swap3A_427] {strides = array<i32>} : memref<400xi32, #tpu.memory_space<vmem>>, vector<16xi32>,
      tpu.vector_store %arg7[%swap3A_427], %get3A_426 {strides = array<i32>} : memref<400xi32, #tpu.memory_space<vmem>>, vector<16xi32>,
      %get3A_429 = arith.constant 0 : i32
      %get3A_430 = arith.index_cast %get3A_429 : i32 to index
      %get3A_431 = arith.constant 32 : index
      %get3A_432 = tpu.vector_load %arg5[%get3A_430, %get3A_431] {strides = array<i32>} : memref<8x50xi32, #tpu.memory_space<vmem>>, vector<16xi32>,
      %swap3A_433 = arith.constant 32 : index
      %swap3A_434 = tpu.vector_load %arg7[%swap3A_433] {strides = array<i32>} : memref<400xi32, #tpu.memory_space<vmem>>, vector<16xi32>,
      tpu.vector_store %arg7[%swap3A_433], %get3A_432 {strides = array<i32>} : memref<400xi32, #tpu.memory_space<vmem>>, vector<16xi32>,
      %get3A_435 = arith.constant 0 : i32
      %get3A_436 = arith.index_cast %get3A_435 : i32 to index
      %get3A_437 = arith.constant 34 : index
      %get3A_438 = tpu.vector_load %arg5[%get3A_436, %get3A_437] {strides = array<i32>} : memref<8x50xi32, #tpu.memory_space<vmem>>, vector<16xi32>,
      %swap3A_439 = arith.constant 34 : index
      %swap3A_440 = tpu.vector_load %arg7[%swap3A_439] {strides = array<i32>} : memref<400xi32, #tpu.memory_space<vmem>>, vector<16xi32>,
      tpu.vector_store %arg7[%swap3A_439], %get3A_438 {strides = array<i32>} : memref<400xi32, #tpu.memory_space<vmem>>, vector<16xi32>,
      %get3A_441 = arith.constant 1 : i32
      %get3A_442 = arith.index_cast %get3A_441 : i32 to index
      %get3A_443 = arith.constant 0 : index
      %get3A_444 = tpu.vector_load %arg5[%get3A_442, %get3A_443] {strides = array<i32>} : memref<8x50xi32, #tpu.memory_space<vmem>>, vector<16xi32>,
      %swap3A_445 = arith.constant 50 : index
      %swap3A_446 = tpu.vector_load %arg7[%swap3A_445] {strides = array<i32>} : memref<400xi32, #tpu.memory_space<vmem>>, vector<16xi32>,
      tpu.vector_store %arg7[%swap3A_445], %get3A_444 {strides = array<i32>} : memref<400xi32, #tpu.memory_space<vmem>>, vector<16xi32>,
      %get3A_447 = arith.constant 1 : i32
      %get3A_448 = arith.index_cast %get3A_447 : i32 to index
      %get3A_449 = arith.constant 16 : index
      %get3A_450 = tpu.vector_load %arg5[%get3A_448, %get3A_449] {strides = array<i32>} : memref<8x50xi32, #tpu.memory_space<vmem>>, vector<16xi32>,
      %swap3A_451 = arith.constant 66 : index
      %swap3A_452 = tpu.vector_load %arg7[%swap3A_451] {strides = array<i32>} : memref<400xi32, #tpu.memory_space<vmem>>, vector<16xi32>,
      tpu.vector_store %arg7[%swap3A_451], %get3A_450 {strides = array<i32>} : memref<400xi32, #tpu.memory_space<vmem>>, vector<16xi32>,
      %get3A_453 = arith.constant 1 : i32
      %get3A_454 = arith.index_cast %get3A_453 : i32 to index
      %get3A_455 = arith.constant 32 : index
      %get3A_456 = tpu.vector_load %arg5[%get3A_454, %get3A_455] {strides = array<i32>} : memref<8x50xi32, #tpu.memory_space<vmem>>, vector<16xi32>,
      %swap3A_457 = arith.constant 82 : index
      %swap3A_458 = tpu.vector_load %arg7[%swap3A_457] {strides = array<i32>} : memref<400xi32, #tpu.memory_space<vmem>>, vector<16xi32>,
      tpu.vector_store %arg7[%swap3A_457], %get3A_456 {strides = array<i32>} : memref<400xi32, #tpu.memory_space<vmem>>, vector<16xi32>,
      %get3A_459 = arith.constant 1 : i32
      %get3A_460 = arith.index_cast %get3A_459 : i32 to index
      %get3A_461 = arith.constant 34 : index
      %get3A_462 = tpu.vector_load %arg5[%get3A_460, %get3A_461] {strides = array<i32>} : memref<8x50xi32, #tpu.memory_space<vmem>>, vector<16xi32>,
      %swap3A_463 = arith.constant 84 : index
      %swap3A_464 = tpu.vector_load %arg7[%swap3A_463] {strides = array<i32>} : memref<400xi32, #tpu.memory_space<vmem>>, vector<16xi32>,
      tpu.vector_store %arg7[%swap3A_463], %get3A_462 {strides = array<i32>} : memref<400xi32, #tpu.memory_space<vmem>>, vector<16xi32>,
      %get3A_465 = arith.constant 2 : i32
      %get3A_466 = arith.index_cast %get3A_465 : i32 to index
      %get3A_467 = arith.constant 0 : index
      %get3A_468 = tpu.vector_load %arg5[%get3A_466, %get3A_467] {strides = array<i32>} : memref<8x50xi32, #tpu.memory_space<vmem>>, vector<16xi32>,
      %swap3A_469 = arith.constant 100 : index
      %swap3A_470 = tpu.vector_load %arg7[%swap3A_469] {strides = array<i32>} : memref<400xi32, #tpu.memory_space<vmem>>, vector<16xi32>,
      tpu.vector_store %arg7[%swap3A_469], %get3A_468 {strides = array<i32>} : memref<400xi32, #tpu.memory_space<vmem>>, vector<16xi32>,
      %get3A_471 = arith.constant 2 : i32
      %get3A_472 = arith.index_cast %get3A_471 : i32 to index
      %get3A_473 = arith.constant 16 : index
      %get3A_474 = tpu.vector_load %arg5[%get3A_472, %get3A_473] {strides = array<i32>} : memref<8x50xi32, #tpu.memory_space<vmem>>, vector<16xi32>,
      %swap3A_475 = arith.constant 116 : index
      %swap3A_476 = tpu.vector_load %arg7[%swap3A_475] {strides = array<i32>} : memref<400xi32, #tpu.memory_space<vmem>>, vector<16xi32>,
      tpu.vector_store %arg7[%swap3A_475], %get3A_474 {strides = array<i32>} : memref<400xi32, #tpu.memory_space<vmem>>, vector<16xi32>,
      %get3A_477 = arith.constant 2 : i32
      %get3A_478 = arith.index_cast %get3A_477 : i32 to index
      %get3A_479 = arith.constant 32 : index
      %get3A_480 = tpu.vector_load %arg5[%get3A_478, %get3A_479] {strides = array<i32>} : memref<8x50xi32, #tpu.memory_space<vmem>>, vector<16xi32>,
      %swap3A_481 = arith.constant 132 : index
      %swap3A_482 = tpu.vector_load %arg7[%swap3A_481] {strides = array<i32>} : memref<400xi32, #tpu.memory_space<vmem>>, vector<16xi32>,
      tpu.vector_store %arg7[%swap3A_481], %get3A_480 {strides = array<i32>} : memref<400xi32, #tpu.memory_space<vmem>>, vector<16xi32>,
      %get3A_483 = arith.constant 2 : i32
      %get3A_484 = arith.index_cast %get3A_483 : i32 to index
      %get3A_485 = arith.constant 34 : index
      %get3A_486 = tpu.vector_load %arg5[%get3A_484, %get3A_485] {strides = array<i32>} : memref<8x50xi32, #tpu.memory_space<vmem>>, vector<16xi32>,
      %swap3A_487 = arith.constant 134 : index
      %swap3A_488 = tpu.vector_load %arg7[%swap3A_487] {strides = array<i32>} : memref<400xi32, #tpu.memory_space<vmem>>, vector<16xi32>,
      tpu.vector_store %arg7[%swap3A_487], %get3A_486 {strides = array<i32>} : memref<400xi32, #tpu.memory_space<vmem>>, vector<16xi32>,
      %get3A_489 = arith.constant 3 : i32
      %get3A_490 = arith.index_cast %get3A_489 : i32 to index
      %get3A_491 = arith.constant 0 : index
      %get3A_492 = tpu.vector_load %arg5[%get3A_490, %get3A_491] {strides = array<i32>} : memref<8x50xi32, #tpu.memory_space<vmem>>, vector<16xi32>,
      %swap3A_493 = arith.constant 150 : index
      %swap3A_494 = tpu.vector_load %arg7[%swap3A_493] {strides = array<i32>} : memref<400xi32, #tpu.memory_space<vmem>>, vector<16xi32>,
      tpu.vector_store %arg7[%swap3A_493], %get3A_492 {strides = array<i32>} : memref<400xi32, #tpu.memory_space<vmem>>, vector<16xi32>,
      %get3A_495 = arith.constant 3 : i32
      %get3A_496 = arith.index_cast %get3A_495 : i32 to index
      %get3A_497 = arith.constant 16 : index
      %get3A_498 = tpu.vector_load %arg5[%get3A_496, %get3A_497] {strides = array<i32>} : memref<8x50xi32, #tpu.memory_space<vmem>>, vector<16xi32>,
      %swap3A_499 = arith.constant 166 : index
      %swap3A_500 = tpu.vector_load %arg7[%swap3A_499] {strides = array<i32>} : memref<400xi32, #tpu.memory_space<vmem>>, vector<16xi32>,
      tpu.vector_store %arg7[%swap3A_499], %get3A_498 {strides = array<i32>} : memref<400xi32, #tpu.memory_space<vmem>>, vector<16xi32>,
      %get3A_501 = arith.constant 3 : i32
      %get3A_502 = arith.index_cast %get3A_501 : i32 to index
      %get3A_503 = arith.constant 32 : index
      %get3A_504 = tpu.vector_load %arg5[%get3A_502, %get3A_503] {strides = array<i32>} : memref<8x50xi32, #tpu.memory_space<vmem>>, vector<16xi32>,
      %swap3A_505 = arith.constant 182 : index
      %swap3A_506 = tpu.vector_load %arg7[%swap3A_505] {strides = array<i32>} : memref<400xi32, #tpu.memory_space<vmem>>, vector<16xi32>,
      tpu.vector_store %arg7[%swap3A_505], %get3A_504 {strides = array<i32>} : memref<400xi32, #tpu.memory_space<vmem>>, vector<16xi32>,
      %get3A_507 = arith.constant 3 : i32
      %get3A_508 = arith.index_cast %get3A_507 : i32 to index
      %get3A_509 = arith.constant 34 : index
      %get3A_510 = tpu.vector_load %arg5[%get3A_508, %get3A_509] {strides = array<i32>} : memref<8x50xi32, #tpu.memory_space<vmem>>, vector<16xi32>,
      %swap3A_511 = arith.constant 184 : index
      %swap3A_512 = tpu.vector_load %arg7[%swap3A_511] {strides = array<i32>} : memref<400xi32, #tpu.memory_space<vmem>>, vector<16xi32>,
      tpu.vector_store %arg7[%swap3A_511], %get3A_510 {strides = array<i32>} : memref<400xi32, #tpu.memory_space<vmem>>, vector<16xi32>,
      %get3A_513 = arith.constant 4 : i32
      %get3A_514 = arith.index_cast %get3A_513 : i32 to index
      %get3A_515 = arith.constant 0 : index
      %get3A_516 = tpu.vector_load %arg5[%get3A_514, %get3A_515] {strides = array<i32>} : memref<8x50xi32, #tpu.memory_space<vmem>>, vector<16xi32>,
      %swap3A_517 = arith.constant 200 : index
      %swap3A_518 = tpu.vector_load %arg7[%swap3A_517] {strides = array<i32>} : memref<400xi32, #tpu.memory_space<vmem>>, vector<16xi32>,
      tpu.vector_store %arg7[%swap3A_517], %get3A_516 {strides = array<i32>} : memref<400xi32, #tpu.memory_space<vmem>>, vector<16xi32>,
      %get3A_519 = arith.constant 4 : i32
      %get3A_520 = arith.index_cast %get3A_519 : i32 to index
      %get3A_521 = arith.constant 16 : index
      %get3A_522 = tpu.vector_load %arg5[%get3A_520, %get3A_521] {strides = array<i32>} : memref<8x50xi32, #tpu.memory_space<vmem>>, vector<16xi32>,
      %swap3A_523 = arith.constant 216 : index
      %swap3A_524 = tpu.vector_load %arg7[%swap3A_523] {strides = array<i32>} : memref<400xi32, #tpu.memory_space<vmem>>, vector<16xi32>,
      tpu.vector_store %arg7[%swap3A_523], %get3A_522 {strides = array<i32>} : memref<400xi32, #tpu.memory_space<vmem>>, vector<16xi32>,
      %get3A_525 = arith.constant 4 : i32
      %get3A_526 = arith.index_cast %get3A_525 : i32 to index
      %get3A_527 = arith.constant 32 : index
      %get3A_528 = tpu.vector_load %arg5[%get3A_526, %get3A_527] {strides = array<i32>} : memref<8x50xi32, #tpu.memory_space<vmem>>, vector<16xi32>,
      %swap3A_529 = arith.constant 232 : index
      %swap3A_530 = tpu.vector_load %arg7[%swap3A_529] {strides = array<i32>} : memref<400xi32, #tpu.memory_space<vmem>>, vector<16xi32>,
      tpu.vector_store %arg7[%swap3A_529], %get3A_528 {strides = array<i32>} : memref<400xi32, #tpu.memory_space<vmem>>, vector<16xi32>,
      %get3A_531 = arith.constant 4 : i32
      %get3A_532 = arith.index_cast %get3A_531 : i32 to index
      %get3A_533 = arith.constant 34 : index
      %get3A_534 = tpu.vector_load %arg5[%get3A_532, %get3A_533] {strides = array<i32>} : memref<8x50xi32, #tpu.memory_space<vmem>>, vector<16xi32>,
      %swap3A_535 = arith.constant 234 : index
      %swap3A_536 = tpu.vector_load %arg7[%swap3A_535] {strides = array<i32>} : memref<400xi32, #tpu.memory_space<vmem>>, vector<16xi32>,
      tpu.vector_store %arg7[%swap3A_535], %get3A_534 {strides = array<i32>} : memref<400xi32, #tpu.memory_space<vmem>>, vector<16xi32>,
      %get3A_537 = arith.constant 5 : i32
      %get3A_538 = arith.index_cast %get3A_537 : i32 to index
      %get3A_539 = arith.constant 0 : index
      %get3A_540 = tpu.vector_load %arg5[%get3A_538, %get3A_539] {strides = array<i32>} : memref<8x50xi32, #tpu.memory_space<vmem>>, vector<16xi32>,
      %swap3A_541 = arith.constant 250 : index
      %swap3A_542 = tpu.vector_load %arg7[%swap3A_541] {strides = array<i32>} : memref<400xi32, #tpu.memory_space<vmem>>, vector<16xi32>,
      tpu.vector_store %arg7[%swap3A_541], %get3A_540 {strides = array<i32>} : memref<400xi32, #tpu.memory_space<vmem>>, vector<16xi32>,
      %get3A_543 = arith.constant 5 : i32
      %get3A_544 = arith.index_cast %get3A_543 : i32 to index
      %get3A_545 = arith.constant 16 : index
      %get3A_546 = tpu.vector_load %arg5[%get3A_544, %get3A_545] {strides = array<i32>} : memref<8x50xi32, #tpu.memory_space<vmem>>, vector<16xi32>,
      %swap3A_547 = arith.constant 266 : index
      %swap3A_548 = tpu.vector_load %arg7[%swap3A_547] {strides = array<i32>} : memref<400xi32, #tpu.memory_space<vmem>>, vector<16xi32>,
      tpu.vector_store %arg7[%swap3A_547], %get3A_546 {strides = array<i32>} : memref<400xi32, #tpu.memory_space<vmem>>, vector<16xi32>,
      %get3A_549 = arith.constant 5 : i32
      %get3A_550 = arith.index_cast %get3A_549 : i32 to index
      %get3A_551 = arith.constant 32 : index
      %get3A_552 = tpu.vector_load %arg5[%get3A_550, %get3A_551] {strides = array<i32>} : memref<8x50xi32, #tpu.memory_space<vmem>>, vector<16xi32>,
      %swap3A_553 = arith.constant 282 : index
      %swap3A_554 = tpu.vector_load %arg7[%swap3A_553] {strides = array<i32>} : memref<400xi32, #tpu.memory_space<vmem>>, vector<16xi32>,
      tpu.vector_store %arg7[%swap3A_553], %get3A_552 {strides = array<i32>} : memref<400xi32, #tpu.memory_space<vmem>>, vector<16xi32>,
      %get3A_555 = arith.constant 5 : i32
      %get3A_556 = arith.index_cast %get3A_555 : i32 to index
      %get3A_557 = arith.constant 34 : index
      %get3A_558 = tpu.vector_load %arg5[%get3A_556, %get3A_557] {strides = array<i32>} : memref<8x50xi32, #tpu.memory_space<vmem>>, vector<16xi32>,
      %swap3A_559 = arith.constant 284 : index
      %swap3A_560 = tpu.vector_load %arg7[%swap3A_559] {strides = array<i32>} : memref<400xi32, #tpu.memory_space<vmem>>, vector<16xi32>,
      tpu.vector_store %arg7[%swap3A_559], %get3A_558 {strides = array<i32>} : memref<400xi32, #tpu.memory_space<vmem>>, vector<16xi32>,
      %get3A_561 = arith.constant 6 : i32
      %get3A_562 = arith.index_cast %get3A_561 : i32 to index
      %get3A_563 = arith.constant 0 : index
      %get3A_564 = tpu.vector_load %arg5[%get3A_562, %get3A_563] {strides = array<i32>} : memref<8x50xi32, #tpu.memory_space<vmem>>, vector<16xi32>,
      %swap3A_565 = arith.constant 300 : index
      %swap3A_566 = tpu.vector_load %arg7[%swap3A_565] {strides = array<i32>} : memref<400xi32, #tpu.memory_space<vmem>>, vector<16xi32>,
      tpu.vector_store %arg7[%swap3A_565], %get3A_564 {strides = array<i32>} : memref<400xi32, #tpu.memory_space<vmem>>, vector<16xi32>,
      %get3A_567 = arith.constant 6 : i32
      %get3A_568 = arith.index_cast %get3A_567 : i32 to index
      %get3A_569 = arith.constant 16 : index
      %get3A_570 = tpu.vector_load %arg5[%get3A_568, %get3A_569] {strides = array<i32>} : memref<8x50xi32, #tpu.memory_space<vmem>>, vector<16xi32>,
      %swap3A_571 = arith.constant 316 : index
      %swap3A_572 = tpu.vector_load %arg7[%swap3A_571] {strides = array<i32>} : memref<400xi32, #tpu.memory_space<vmem>>, vector<16xi32>,
      tpu.vector_store %arg7[%swap3A_571], %get3A_570 {strides = array<i32>} : memref<400xi32, #tpu.memory_space<vmem>>, vector<16xi32>,
      %get3A_573 = arith.constant 6 : i32
      %get3A_574 = arith.index_cast %get3A_573 : i32 to index
      %get3A_575 = arith.constant 32 : index
      %get3A_576 = tpu.vector_load %arg5[%get3A_574, %get3A_575] {strides = array<i32>} : memref<8x50xi32, #tpu.memory_space<vmem>>, vector<16xi32>,
      %swap3A_577 = arith.constant 332 : index
      %swap3A_578 = tpu.vector_load %arg7[%swap3A_577] {strides = array<i32>} : memref<400xi32, #tpu.memory_space<vmem>>, vector<16xi32>,
      tpu.vector_store %arg7[%swap3A_577], %get3A_576 {strides = array<i32>} : memref<400xi32, #tpu.memory_space<vmem>>, vector<16xi32>,
      %get3A_579 = arith.constant 6 : i32
      %get3A_580 = arith.index_cast %get3A_579 : i32 to index
      %get3A_581 = arith.constant 34 : index
      %get3A_582 = tpu.vector_load %arg5[%get3A_580, %get3A_581] {strides = array<i32>} : memref<8x50xi32, #tpu.memory_space<vmem>>, vector<16xi32>,
      %swap3A_583 = arith.constant 334 : index
      %swap3A_584 = tpu.vector_load %arg7[%swap3A_583] {strides = array<i32>} : memref<400xi32, #tpu.memory_space<vmem>>, vector<16xi32>,
      tpu.vector_store %arg7[%swap3A_583], %get3A_582 {strides = array<i32>} : memref<400xi32, #tpu.memory_space<vmem>>, vector<16xi32>,
      %get3A_585 = arith.constant 7 : i32
      %get3A_586 = arith.index_cast %get3A_585 : i32 to index
      %get3A_587 = arith.constant 0 : index
      %get3A_588 = tpu.vector_load %arg5[%get3A_586, %get3A_587] {strides = array<i32>} : memref<8x50xi32, #tpu.memory_space<vmem>>, vector<16xi32>,
      %swap3A_589 = arith.constant 350 : index
      %swap3A_590 = tpu.vector_load %arg7[%swap3A_589] {strides = array<i32>} : memref<400xi32, #tpu.memory_space<vmem>>, vector<16xi32>,
      tpu.vector_store %arg7[%swap3A_589], %get3A_588 {strides = array<i32>} : memref<400xi32, #tpu.memory_space<vmem>>, vector<16xi32>,
      %get3A_591 = arith.constant 7 : i32
      %get3A_592 = arith.index_cast %get3A_591 : i32 to index
      %get3A_593 = arith.constant 16 : index
      %get3A_594 = tpu.vector_load %arg5[%get3A_592, %get3A_593] {strides = array<i32>} : memref<8x50xi32, #tpu.memory_space<vmem>>, vector<16xi32>,
      %swap3A_595 = arith.constant 366 : index
      %swap3A_596 = tpu.vector_load %arg7[%swap3A_595] {strides = array<i32>} : memref<400xi32, #tpu.memory_space<vmem>>, vector<16xi32>,
      tpu.vector_store %arg7[%swap3A_595], %get3A_594 {strides = array<i32>} : memref<400xi32, #tpu.memory_space<vmem>>, vector<16xi32>,
      %get3A_597 = arith.constant 7 : i32
      %get3A_598 = arith.index_cast %get3A_597 : i32 to index
      %get3A_599 = arith.constant 32 : index
      %get3A_600 = tpu.vector_load %arg5[%get3A_598, %get3A_599] {strides = array<i32>} : memref<8x50xi32, #tpu.memory_space<vmem>>, vector<16xi32>,
      %swap3A_601 = arith.constant 382 : index
      %swap3A_602 = tpu.vector_load %arg7[%swap3A_601] {strides = array<i32>} : memref<400xi32, #tpu.memory_space<vmem>>, vector<16xi32>,
      tpu.vector_store %arg7[%swap3A_601], %get3A_600 {strides = array<i32>} : memref<400xi32, #tpu.memory_space<vmem>>, vector<16xi32>,
      %get3A_603 = arith.constant 7 : i32
      %get3A_604 = arith.index_cast %get3A_603 : i32 to index
      %get3A_605 = arith.constant 34 : index
      %get3A_606 = tpu.vector_load %arg5[%get3A_604, %get3A_605] {strides = array<i32>} : memref<8x50xi32, #tpu.memory_space<vmem>>, vector<16xi32>,
      %swap3A_607 = arith.constant 384 : index
      %swap3A_608 = tpu.vector_load %arg7[%swap3A_607] {strides = array<i32>} : memref<400xi32, #tpu.memory_space<vmem>>, vector<16xi32>,
      tpu.vector_store %arg7[%swap3A_607], %get3A_606 {strides = array<i32>} : memref<400xi32, #tpu.memory_space<vmem>>, vector<16xi32>,
      %ge3A = arith.constant 1 : i32
      %ge3A_609 = arith.cmpi sge, %add3A_408, %ge3A : i32
      %convert_element_type3A = arith.extui %ge3A_609 : i1 to i32
      %cond3A = arith.constant 0 : i32
      %cond3A_610 = arith.cmpi ne, %convert_element_type3A, %cond3A : i32
      scf.if %cond3A_610 {
        %sub3A_978 = arith.constant 2 : i32
        %sub3A_979 = arith.subi %mul3A_410, %sub3A_978 : i32
        %mul3A_980 = arith.constant 8 : i32
        %mul3A_981 = arith.muli %sub3A_979, %mul3A_980 : i32
        %add3A_982 = arith.addi %mul3A_2, %mul3A_981 : i32
        %add3A_983 = arith.constant 0 : i32
        %add3A_984 = arith.addi %add3A_982, %add3A_983 : i32
        %add3A_985 = arith.constant 1 : i32
        %add3A_986 = arith.addi %add3A_982, %add3A_985 : i32
        %add3A_987 = arith.constant 2 : i32
        %add3A_988 = arith.addi %add3A_982, %add3A_987 : i32
        %add3A_989 = arith.constant 3 : i32
        %add3A_990 = arith.addi %add3A_982, %add3A_989 : i32
        %add3A_991 = arith.constant 4 : i32
        %add3A_992 = arith.addi %add3A_982, %add3A_991 : i32
        %add3A_993 = arith.constant 5 : i32
        %add3A_994 = arith.addi %add3A_982, %add3A_993 : i32
        %add3A_995 = arith.constant 6 : i32
        %add3A_996 = arith.addi %add3A_982, %add3A_995 : i32
        %add3A_997 = arith.constant 7 : i32
        %add3A_998 = arith.addi %add3A_982, %add3A_997 : i32
        %dma_wait3A_999 = arith.constant 0 : i32
        %dma_wait3A_1000 = arith.constant 0 : i32
        %dma_wait3A_1001 = tpu.memref_slice %arg9[%dma_wait3A_999, %dma_wait3A_1000] : memref<400x32xf32, #tpu.memory_space<vmem>> -> memref<50x32xf32, #tpu.memory_space<vmem>>
        %dma_wait3A_1002 = arith.constant 0 : i32
        %dma_wait3A_1003 = arith.constant 0 : i32
        %dma_wait3A_1004 = tpu.memref_slice %arg4[%add3A_984, %dma_wait3A_1002, %dma_wait3A_1003] : memref<16384x50x32xf32, #tpu.memory_space<hbm>> -> memref<1x50x32xf32, #tpu.memory_space<hbm>>
        %dma_wait3A_1005 = tpu.memref_squeeze %dma_wait3A_1004 : memref<1x50x32xf32, #tpu.memory_space<hbm>> -> memref<50x32xf32, #tpu.memory_space<hbm>>
        %dma_wait3A_1006 = arith.constant 0 : i32
        %dma_wait3A_1007 = arith.constant 0 : i32
        %dma_wait3A_1008 = tpu.memref_slice %arg4[%add3A_984, %dma_wait3A_1006, %dma_wait3A_1007] : memref<16384x50x32xf32, #tpu.memory_space<hbm>> -> memref<1x50x32xf32, #tpu.memory_space<hbm>>
        %dma_wait3A_1009 = tpu.memref_squeeze %dma_wait3A_1008 : memref<1x50x32xf32, #tpu.memory_space<hbm>> -> memref<50x32xf32, #tpu.memory_space<hbm>>
        %dma_wait3A_1010 = arith.constant 0 : i32
        %dma_wait3A_1011 = arith.constant 0 : i32
        %dma_wait3A_1012 = tpu.memref_slice %arg9[%dma_wait3A_1010, %dma_wait3A_1011] : memref<400x32xf32, #tpu.memory_space<vmem>> -> memref<50x32xf32, #tpu.memory_space<vmem>>
        tpu.wait_dma2 semaphore(%arg15 : memref<!tpu.dma_semaphore, #tpu.memory_space<semaphore_mem>>) src(%dma_wait3A_1012 : memref<50x32xf32, #tpu.memory_space<vmem>>) dst(%dma_wait3A_1009 : memref<50x32xf32, #tpu.memory_space<hbm>>)
        %dma_wait3A_1013 = arith.constant 50 : i32
        %dma_wait3A_1014 = arith.constant 0 : i32
        %dma_wait3A_1015 = tpu.memref_slice %arg9[%dma_wait3A_1013, %dma_wait3A_1014] : memref<400x32xf32, #tpu.memory_space<vmem>> -> memref<50x32xf32, #tpu.memory_space<vmem>>
        %dma_wait3A_1016 = arith.constant 0 : i32
        %dma_wait3A_1017 = arith.constant 0 : i32
        %dma_wait3A_1018 = tpu.memref_slice %arg4[%add3A_986, %dma_wait3A_1016, %dma_wait3A_1017] : memref<16384x50x32xf32, #tpu.memory_space<hbm>> -> memref<1x50x32xf32, #tpu.memory_space<hbm>>
        %dma_wait3A_1019 = tpu.memref_squeeze %dma_wait3A_1018 : memref<1x50x32xf32, #tpu.memory_space<hbm>> -> memref<50x32xf32, #tpu.memory_space<hbm>>
        %dma_wait3A_1020 = arith.constant 0 : i32
        %dma_wait3A_1021 = arith.constant 0 : i32
        %dma_wait3A_1022 = tpu.memref_slice %arg4[%add3A_986, %dma_wait3A_1020, %dma_wait3A_1021] : memref<16384x50x32xf32, #tpu.memory_space<hbm>> -> memref<1x50x32xf32, #tpu.memory_space<hbm>>
        %dma_wait3A_1023 = tpu.memref_squeeze %dma_wait3A_1022 : memref<1x50x32xf32, #tpu.memory_space<hbm>> -> memref<50x32xf32, #tpu.memory_space<hbm>>
        %dma_wait3A_1024 = arith.constant 50 : i32
        %dma_wait3A_1025 = arith.constant 0 : i32
        %dma_wait3A_1026 = tpu.memref_slice %arg9[%dma_wait3A_1024, %dma_wait3A_1025] : memref<400x32xf32, #tpu.memory_space<vmem>> -> memref<50x32xf32, #tpu.memory_space<vmem>>
        tpu.wait_dma2 semaphore(%arg15 : memref<!tpu.dma_semaphore, #tpu.memory_space<semaphore_mem>>) src(%dma_wait3A_1026 : memref<50x32xf32, #tpu.memory_space<vmem>>) dst(%dma_wait3A_1023 : memref<50x32xf32, #tpu.memory_space<hbm>>)
        %dma_wait3A_1027 = arith.constant 100 : i32
        %dma_wait3A_1028 = arith.constant 0 : i32
        %dma_wait3A_1029 = tpu.memref_slice %arg9[%dma_wait3A_1027, %dma_wait3A_1028] : memref<400x32xf32, #tpu.memory_space<vmem>> -> memref<50x32xf32, #tpu.memory_space<vmem>>
        %dma_wait3A_1030 = arith.constant 0 : i32
        %dma_wait3A_1031 = arith.constant 0 : i32
        %dma_wait3A_1032 = tpu.memref_slice %arg4[%add3A_988, %dma_wait3A_1030, %dma_wait3A_1031] : memref<16384x50x32xf32, #tpu.memory_space<hbm>> -> memref<1x50x32xf32, #tpu.memory_space<hbm>>
        %dma_wait3A_1033 = tpu.memref_squeeze %dma_wait3A_1032 : memref<1x50x32xf32, #tpu.memory_space<hbm>> -> memref<50x32xf32, #tpu.memory_space<hbm>>
        %dma_wait3A_1034 = arith.constant 0 : i32
        %dma_wait3A_1035 = arith.constant 0 : i32
        %dma_wait3A_1036 = tpu.memref_slice %arg4[%add3A_988, %dma_wait3A_1034, %dma_wait3A_1035] : memref<16384x50x32xf32, #tpu.memory_space<hbm>> -> memref<1x50x32xf32, #tpu.memory_space<hbm>>
        %dma_wait3A_1037 = tpu.memref_squeeze %dma_wait3A_1036 : memref<1x50x32xf32, #tpu.memory_space<hbm>> -> memref<50x32xf32, #tpu.memory_space<hbm>>
        %dma_wait3A_1038 = arith.constant 100 : i32
        %dma_wait3A_1039 = arith.constant 0 : i32
        %dma_wait3A_1040 = tpu.memref_slice %arg9[%dma_wait3A_1038, %dma_wait3A_1039] : memref<400x32xf32, #tpu.memory_space<vmem>> -> memref<50x32xf32, #tpu.memory_space<vmem>>
        tpu.wait_dma2 semaphore(%arg15 : memref<!tpu.dma_semaphore, #tpu.memory_space<semaphore_mem>>) src(%dma_wait3A_1040 : memref<50x32xf32, #tpu.memory_space<vmem>>) dst(%dma_wait3A_1037 : memref<50x32xf32, #tpu.memory_space<hbm>>)
        %dma_wait3A_1041 = arith.constant 150 : i32
        %dma_wait3A_1042 = arith.constant 0 : i32
        %dma_wait3A_1043 = tpu.memref_slice %arg9[%dma_wait3A_1041, %dma_wait3A_1042] : memref<400x32xf32, #tpu.memory_space<vmem>> -> memref<50x32xf32, #tpu.memory_space<vmem>>
        %dma_wait3A_1044 = arith.constant 0 : i32
        %dma_wait3A_1045 = arith.constant 0 : i32
        %dma_wait3A_1046 = tpu.memref_slice %arg4[%add3A_990, %dma_wait3A_1044, %dma_wait3A_1045] : memref<16384x50x32xf32, #tpu.memory_space<hbm>> -> memref<1x50x32xf32, #tpu.memory_space<hbm>>
        %dma_wait3A_1047 = tpu.memref_squeeze %dma_wait3A_1046 : memref<1x50x32xf32, #tpu.memory_space<hbm>> -> memref<50x32xf32, #tpu.memory_space<hbm>>
        %dma_wait3A_1048 = arith.constant 0 : i32
        %dma_wait3A_1049 = arith.constant 0 : i32
        %dma_wait3A_1050 = tpu.memref_slice %arg4[%add3A_990, %dma_wait3A_1048, %dma_wait3A_1049] : memref<16384x50x32xf32, #tpu.memory_space<hbm>> -> memref<1x50x32xf32, #tpu.memory_space<hbm>>
        %dma_wait3A_1051 = tpu.memref_squeeze %dma_wait3A_1050 : memref<1x50x32xf32, #tpu.memory_space<hbm>> -> memref<50x32xf32, #tpu.memory_space<hbm>>
        %dma_wait3A_1052 = arith.constant 150 : i32
        %dma_wait3A_1053 = arith.constant 0 : i32
        %dma_wait3A_1054 = tpu.memref_slice %arg9[%dma_wait3A_1052, %dma_wait3A_1053] : memref<400x32xf32, #tpu.memory_space<vmem>> -> memref<50x32xf32, #tpu.memory_space<vmem>>
        tpu.wait_dma2 semaphore(%arg15 : memref<!tpu.dma_semaphore, #tpu.memory_space<semaphore_mem>>) src(%dma_wait3A_1054 : memref<50x32xf32, #tpu.memory_space<vmem>>) dst(%dma_wait3A_1051 : memref<50x32xf32, #tpu.memory_space<hbm>>)
        %dma_wait3A_1055 = arith.constant 200 : i32
        %dma_wait3A_1056 = arith.constant 0 : i32
        %dma_wait3A_1057 = tpu.memref_slice %arg9[%dma_wait3A_1055, %dma_wait3A_1056] : memref<400x32xf32, #tpu.memory_space<vmem>> -> memref<50x32xf32, #tpu.memory_space<vmem>>
        %dma_wait3A_1058 = arith.constant 0 : i32
        %dma_wait3A_1059 = arith.constant 0 : i32
        %dma_wait3A_1060 = tpu.memref_slice %arg4[%add3A_992, %dma_wait3A_1058, %dma_wait3A_1059] : memref<16384x50x32xf32, #tpu.memory_space<hbm>> -> memref<1x50x32xf32, #tpu.memory_space<hbm>>
        %dma_wait3A_1061 = tpu.memref_squeeze %dma_wait3A_1060 : memref<1x50x32xf32, #tpu.memory_space<hbm>> -> memref<50x32xf32, #tpu.memory_space<hbm>>
        %dma_wait3A_1062 = arith.constant 0 : i32
        %dma_wait3A_1063 = arith.constant 0 : i32
        %dma_wait3A_1064 = tpu.memref_slice %arg4[%add3A_992, %dma_wait3A_1062, %dma_wait3A_1063] : memref<16384x50x32xf32, #tpu.memory_space<hbm>> -> memref<1x50x32xf32, #tpu.memory_space<hbm>>
        %dma_wait3A_1065 = tpu.memref_squeeze %dma_wait3A_1064 : memref<1x50x32xf32, #tpu.memory_space<hbm>> -> memref<50x32xf32, #tpu.memory_space<hbm>>
        %dma_wait3A_1066 = arith.constant 200 : i32
        %dma_wait3A_1067 = arith.constant 0 : i32
        %dma_wait3A_1068 = tpu.memref_slice %arg9[%dma_wait3A_1066, %dma_wait3A_1067] : memref<400x32xf32, #tpu.memory_space<vmem>> -> memref<50x32xf32, #tpu.memory_space<vmem>>
        tpu.wait_dma2 semaphore(%arg15 : memref<!tpu.dma_semaphore, #tpu.memory_space<semaphore_mem>>) src(%dma_wait3A_1068 : memref<50x32xf32, #tpu.memory_space<vmem>>) dst(%dma_wait3A_1065 : memref<50x32xf32, #tpu.memory_space<hbm>>)
        %dma_wait3A_1069 = arith.constant 250 : i32
        %dma_wait3A_1070 = arith.constant 0 : i32
        %dma_wait3A_1071 = tpu.memref_slice %arg9[%dma_wait3A_1069, %dma_wait3A_1070] : memref<400x32xf32, #tpu.memory_space<vmem>> -> memref<50x32xf32, #tpu.memory_space<vmem>>
        %dma_wait3A_1072 = arith.constant 0 : i32
        %dma_wait3A_1073 = arith.constant 0 : i32
        %dma_wait3A_1074 = tpu.memref_slice %arg4[%add3A_994, %dma_wait3A_1072, %dma_wait3A_1073] : memref<16384x50x32xf32, #tpu.memory_space<hbm>> -> memref<1x50x32xf32, #tpu.memory_space<hbm>>
        %dma_wait3A_1075 = tpu.memref_squeeze %dma_wait3A_1074 : memref<1x50x32xf32, #tpu.memory_space<hbm>> -> memref<50x32xf32, #tpu.memory_space<hbm>>
        %dma_wait3A_1076 = arith.constant 0 : i32
        %dma_wait3A_1077 = arith.constant 0 : i32
        %dma_wait3A_1078 = tpu.memref_slice %arg4[%add3A_994, %dma_wait3A_1076, %dma_wait3A_1077] : memref<16384x50x32xf32, #tpu.memory_space<hbm>> -> memref<1x50x32xf32, #tpu.memory_space<hbm>>
        %dma_wait3A_1079 = tpu.memref_squeeze %dma_wait3A_1078 : memref<1x50x32xf32, #tpu.memory_space<hbm>> -> memref<50x32xf32, #tpu.memory_space<hbm>>
        %dma_wait3A_1080 = arith.constant 250 : i32
        %dma_wait3A_1081 = arith.constant 0 : i32
        %dma_wait3A_1082 = tpu.memref_slice %arg9[%dma_wait3A_1080, %dma_wait3A_1081] : memref<400x32xf32, #tpu.memory_space<vmem>> -> memref<50x32xf32, #tpu.memory_space<vmem>>
        tpu.wait_dma2 semaphore(%arg15 : memref<!tpu.dma_semaphore, #tpu.memory_space<semaphore_mem>>) src(%dma_wait3A_1082 : memref<50x32xf32, #tpu.memory_space<vmem>>) dst(%dma_wait3A_1079 : memref<50x32xf32, #tpu.memory_space<hbm>>)
        %dma_wait3A_1083 = arith.constant 300 : i32
        %dma_wait3A_1084 = arith.constant 0 : i32
        %dma_wait3A_1085 = tpu.memref_slice %arg9[%dma_wait3A_1083, %dma_wait3A_1084] : memref<400x32xf32, #tpu.memory_space<vmem>> -> memref<50x32xf32, #tpu.memory_space<vmem>>
        %dma_wait3A_1086 = arith.constant 0 : i32
        %dma_wait3A_1087 = arith.constant 0 : i32
        %dma_wait3A_1088 = tpu.memref_slice %arg4[%add3A_996, %dma_wait3A_1086, %dma_wait3A_1087] : memref<16384x50x32xf32, #tpu.memory_space<hbm>> -> memref<1x50x32xf32, #tpu.memory_space<hbm>>
        %dma_wait3A_1089 = tpu.memref_squeeze %dma_wait3A_1088 : memref<1x50x32xf32, #tpu.memory_space<hbm>> -> memref<50x32xf32, #tpu.memory_space<hbm>>
        %dma_wait3A_1090 = arith.constant 0 : i32
        %dma_wait3A_1091 = arith.constant 0 : i32
        %dma_wait3A_1092 = tpu.memref_slice %arg4[%add3A_996, %dma_wait3A_1090, %dma_wait3A_1091] : memref<16384x50x32xf32, #tpu.memory_space<hbm>> -> memref<1x50x32xf32, #tpu.memory_space<hbm>>
        %dma_wait3A_1093 = tpu.memref_squeeze %dma_wait3A_1092 : memref<1x50x32xf32, #tpu.memory_space<hbm>> -> memref<50x32xf32, #tpu.memory_space<hbm>>
        %dma_wait3A_1094 = arith.constant 300 : i32
        %dma_wait3A_1095 = arith.constant 0 : i32
        %dma_wait3A_1096 = tpu.memref_slice %arg9[%dma_wait3A_1094, %dma_wait3A_1095] : memref<400x32xf32, #tpu.memory_space<vmem>> -> memref<50x32xf32, #tpu.memory_space<vmem>>
        tpu.wait_dma2 semaphore(%arg15 : memref<!tpu.dma_semaphore, #tpu.memory_space<semaphore_mem>>) src(%dma_wait3A_1096 : memref<50x32xf32, #tpu.memory_space<vmem>>) dst(%dma_wait3A_1093 : memref<50x32xf32, #tpu.memory_space<hbm>>)
        %dma_wait3A_1097 = arith.constant 350 : i32
        %dma_wait3A_1098 = arith.constant 0 : i32
        %dma_wait3A_1099 = tpu.memref_slice %arg9[%dma_wait3A_1097, %dma_wait3A_1098] : memref<400x32xf32, #tpu.memory_space<vmem>> -> memref<50x32xf32, #tpu.memory_space<vmem>>
        %dma_wait3A_1100 = arith.constant 0 : i32
        %dma_wait3A_1101 = arith.constant 0 : i32
        %dma_wait3A_1102 = tpu.memref_slice %arg4[%add3A_998, %dma_wait3A_1100, %dma_wait3A_1101] : memref<16384x50x32xf32, #tpu.memory_space<hbm>> -> memref<1x50x32xf32, #tpu.memory_space<hbm>>
        %dma_wait3A_1103 = tpu.memref_squeeze %dma_wait3A_1102 : memref<1x50x32xf32, #tpu.memory_space<hbm>> -> memref<50x32xf32, #tpu.memory_space<hbm>>
        %dma_wait3A_1104 = arith.constant 0 : i32
        %dma_wait3A_1105 = arith.constant 0 : i32
        %dma_wait3A_1106 = tpu.memref_slice %arg4[%add3A_998, %dma_wait3A_1104, %dma_wait3A_1105] : memref<16384x50x32xf32, #tpu.memory_space<hbm>> -> memref<1x50x32xf32, #tpu.memory_space<hbm>>
        %dma_wait3A_1107 = tpu.memref_squeeze %dma_wait3A_1106 : memref<1x50x32xf32, #tpu.memory_space<hbm>> -> memref<50x32xf32, #tpu.memory_space<hbm>>
        %dma_wait3A_1108 = arith.constant 350 : i32
        %dma_wait3A_1109 = arith.constant 0 : i32
        %dma_wait3A_1110 = tpu.memref_slice %arg9[%dma_wait3A_1108, %dma_wait3A_1109] : memref<400x32xf32, #tpu.memory_space<vmem>> -> memref<50x32xf32, #tpu.memory_space<vmem>>
        tpu.wait_dma2 semaphore(%arg15 : memref<!tpu.dma_semaphore, #tpu.memory_space<semaphore_mem>>) src(%dma_wait3A_1110 : memref<50x32xf32, #tpu.memory_space<vmem>>) dst(%dma_wait3A_1107 : memref<50x32xf32, #tpu.memory_space<hbm>>)
      } else {
      }
      %dma_start3A_611 = arith.constant 0 : i32
      %dma_start3A_612 = arith.constant 0 : i32
      %dma_start3A_613 = tpu.memref_slice %arg2[%dma_start3A_611, %dma_start3A_612] : memref<1000000x32xf32, #tpu.memory_space<hbm>> -> memref<1000000x32xf32, #tpu.memory_space<hbm>>
      tpu.enqueue_indirect_dma source(%dma_start3A_613 : memref<1000000x32xf32, #tpu.memory_space<hbm>>) target(%arg9 : memref<400x32xf32, #tpu.memory_space<vmem>>) offsets(%arg7 : memref<400xi32, #tpu.memory_space<vmem>>) semaphore(%arg13 : memref<!tpu.dma_semaphore, #tpu.memory_space<semaphore_mem>>)
      %add3A_614 = arith.constant 1 : i32
      %add3A_615 = arith.addi %mul3A_410, %add3A_614 : i32
      %mul3A_616 = arith.constant 8 : i32
      %mul3A_617 = arith.muli %add3A_615, %mul3A_616 : i32
      %add3A_618 = arith.addi %mul3A_2, %mul3A_617 : i32
      %multiple_of3A_619 = tpu.assume_multiple %add3A_618, 8 : i32
      %dma_start3A_620 = arith.constant 0 : i32
      %dma_start3A_621 = tpu.memref_slice %arg3[%multiple_of3A_619, %dma_start3A_620] : memref<16384x50xi32, #tpu.memory_space<hbm>> -> memref<8x50xi32, #tpu.memory_space<hbm>>
      %dma_start3A_622 = arith.constant 0 : i32
      %dma_start3A_623 = tpu.memref_slice %arg3[%multiple_of3A_619, %dma_start3A_622] : memref<16384x50xi32, #tpu.memory_space<hbm>> -> memref<8x50xi32, #tpu.memory_space<hbm>>
      tpu.enqueue_dma source(%dma_start3A_623 : memref<8x50xi32, #tpu.memory_space<hbm>>) target(%arg6 : memref<8x50xi32, #tpu.memory_space<vmem>>) target_semaphore(%arg12 : memref<!tpu.dma_semaphore, #tpu.memory_space<semaphore_mem>>)
      %ge3A_624 = arith.constant 1 : i32
      %ge3A_625 = arith.cmpi sge, %add3A_408, %ge3A_624 : i32
      %convert_element_type3A_626 = arith.extui %ge3A_625 : i1 to i32
      %cond3A_627 = arith.constant 0 : i32
      %cond3A_628 = arith.cmpi ne, %convert_element_type3A_626, %cond3A_627 : i32
      scf.if %cond3A_628 {
        %dma_wait3A_978 = arith.constant 0 : i32
        %dma_wait3A_979 = arith.constant 0 : i32
        %dma_wait3A_980 = tpu.memref_slice %arg2[%dma_wait3A_978, %dma_wait3A_979] : memref<1000000x32xf32, #tpu.memory_space<hbm>> -> memref<1000000x32xf32, #tpu.memory_space<hbm>>
        tpu.wait_indirect_dma semaphore(%arg14 : memref<!tpu.dma_semaphore, #tpu.memory_space<semaphore_mem>>) src(%dma_wait3A_980 : memref<1000000x32xf32, #tpu.memory_space<hbm>>) dst(%arg10 : memref<400x32xf32, #tpu.memory_space<vmem>>)
        %sub3A_981 = arith.constant 1 : i32
        %sub3A_982 = arith.subi %mul3A_410, %sub3A_981 : i32
        %mul3A_983 = arith.constant 8 : i32
        %mul3A_984 = arith.muli %sub3A_982, %mul3A_983 : i32
        %add3A_985 = arith.addi %mul3A_2, %mul3A_984 : i32
        %add3A_986 = arith.constant 0 : i32
        %add3A_987 = arith.addi %add3A_985, %add3A_986 : i32
        %add3A_988 = arith.constant 1 : i32
        %add3A_989 = arith.addi %add3A_985, %add3A_988 : i32
        %add3A_990 = arith.constant 2 : i32
        %add3A_991 = arith.addi %add3A_985, %add3A_990 : i32
        %add3A_992 = arith.constant 3 : i32
        %add3A_993 = arith.addi %add3A_985, %add3A_992 : i32
        %add3A_994 = arith.constant 4 : i32
        %add3A_995 = arith.addi %add3A_985, %add3A_994 : i32
        %add3A_996 = arith.constant 5 : i32
        %add3A_997 = arith.addi %add3A_985, %add3A_996 : i32
        %add3A_998 = arith.constant 6 : i32
        %add3A_999 = arith.addi %add3A_985, %add3A_998 : i32
        %add3A_1000 = arith.constant 7 : i32
        %add3A_1001 = arith.addi %add3A_985, %add3A_1000 : i32
        %dma_start3A_1002 = arith.constant 0 : i32
        %dma_start3A_1003 = arith.constant 0 : i32
        %dma_start3A_1004 = tpu.memref_slice %arg10[%dma_start3A_1002, %dma_start3A_1003] : memref<400x32xf32, #tpu.memory_space<vmem>> -> memref<50x32xf32, #tpu.memory_space<vmem>>
        %dma_start3A_1005 = arith.constant 0 : i32
        %dma_start3A_1006 = arith.constant 0 : i32
        %dma_start3A_1007 = tpu.memref_slice %arg4[%add3A_987, %dma_start3A_1005, %dma_start3A_1006] : memref<16384x50x32xf32, #tpu.memory_space<hbm>> -> memref<1x50x32xf32, #tpu.memory_space<hbm>>
        %dma_start3A_1008 = tpu.memref_squeeze %dma_start3A_1007 : memref<1x50x32xf32, #tpu.memory_space<hbm>> -> memref<50x32xf32, #tpu.memory_space<hbm>>
        %dma_start3A_1009 = arith.constant 0 : i32
        %dma_start3A_1010 = arith.constant 0 : i32
        %dma_start3A_1011 = tpu.memref_slice %arg4[%add3A_987, %dma_start3A_1009, %dma_start3A_1010] : memref<16384x50x32xf32, #tpu.memory_space<hbm>> -> memref<1x50x32xf32, #tpu.memory_space<hbm>>
        %dma_start3A_1012 = tpu.memref_squeeze %dma_start3A_1011 : memref<1x50x32xf32, #tpu.memory_space<hbm>> -> memref<50x32xf32, #tpu.memory_space<hbm>>
        %dma_start3A_1013 = arith.constant 0 : i32
        %dma_start3A_1014 = arith.constant 0 : i32
        %dma_start3A_1015 = tpu.memref_slice %arg10[%dma_start3A_1013, %dma_start3A_1014] : memref<400x32xf32, #tpu.memory_space<vmem>> -> memref<50x32xf32, #tpu.memory_space<vmem>>
        tpu.enqueue_dma source(%dma_start3A_1015 : memref<50x32xf32, #tpu.memory_space<vmem>>) target(%dma_start3A_1012 : memref<50x32xf32, #tpu.memory_space<hbm>>) target_semaphore(%arg16 : memref<!tpu.dma_semaphore, #tpu.memory_space<semaphore_mem>>)
        %dma_start3A_1016 = arith.constant 50 : i32
        %dma_start3A_1017 = arith.constant 0 : i32
        %dma_start3A_1018 = tpu.memref_slice %arg10[%dma_start3A_1016, %dma_start3A_1017] : memref<400x32xf32, #tpu.memory_space<vmem>> -> memref<50x32xf32, #tpu.memory_space<vmem>>
        %dma_start3A_1019 = arith.constant 0 : i32
        %dma_start3A_1020 = arith.constant 0 : i32
        %dma_start3A_1021 = tpu.memref_slice %arg4[%add3A_989, %dma_start3A_1019, %dma_start3A_1020] : memref<16384x50x32xf32, #tpu.memory_space<hbm>> -> memref<1x50x32xf32, #tpu.memory_space<hbm>>
        %dma_start3A_1022 = tpu.memref_squeeze %dma_start3A_1021 : memref<1x50x32xf32, #tpu.memory_space<hbm>> -> memref<50x32xf32, #tpu.memory_space<hbm>>
        %dma_start3A_1023 = arith.constant 0 : i32
        %dma_start3A_1024 = arith.constant 0 : i32
        %dma_start3A_1025 = tpu.memref_slice %arg4[%add3A_989, %dma_start3A_1023, %dma_start3A_1024] : memref<16384x50x32xf32, #tpu.memory_space<hbm>> -> memref<1x50x32xf32, #tpu.memory_space<hbm>>
        %dma_start3A_1026 = tpu.memref_squeeze %dma_start3A_1025 : memref<1x50x32xf32, #tpu.memory_space<hbm>> -> memref<50x32xf32, #tpu.memory_space<hbm>>
        %dma_start3A_1027 = arith.constant 50 : i32
        %dma_start3A_1028 = arith.constant 0 : i32
        %dma_start3A_1029 = tpu.memref_slice %arg10[%dma_start3A_1027, %dma_start3A_1028] : memref<400x32xf32, #tpu.memory_space<vmem>> -> memref<50x32xf32, #tpu.memory_space<vmem>>
        tpu.enqueue_dma source(%dma_start3A_1029 : memref<50x32xf32, #tpu.memory_space<vmem>>) target(%dma_start3A_1026 : memref<50x32xf32, #tpu.memory_space<hbm>>) target_semaphore(%arg16 : memref<!tpu.dma_semaphore, #tpu.memory_space<semaphore_mem>>)
        %dma_start3A_1030 = arith.constant 100 : i32
        %dma_start3A_1031 = arith.constant 0 : i32
        %dma_start3A_1032 = tpu.memref_slice %arg10[%dma_start3A_1030, %dma_start3A_1031] : memref<400x32xf32, #tpu.memory_space<vmem>> -> memref<50x32xf32, #tpu.memory_space<vmem>>
        %dma_start3A_1033 = arith.constant 0 : i32
        %dma_start3A_1034 = arith.constant 0 : i32
        %dma_start3A_1035 = tpu.memref_slice %arg4[%add3A_991, %dma_start3A_1033, %dma_start3A_1034] : memref<16384x50x32xf32, #tpu.memory_space<hbm>> -> memref<1x50x32xf32, #tpu.memory_space<hbm>>
        %dma_start3A_1036 = tpu.memref_squeeze %dma_start3A_1035 : memref<1x50x32xf32, #tpu.memory_space<hbm>> -> memref<50x32xf32, #tpu.memory_space<hbm>>
        %dma_start3A_1037 = arith.constant 0 : i32
        %dma_start3A_1038 = arith.constant 0 : i32
        %dma_start3A_1039 = tpu.memref_slice %arg4[%add3A_991, %dma_start3A_1037, %dma_start3A_1038] : memref<16384x50x32xf32, #tpu.memory_space<hbm>> -> memref<1x50x32xf32, #tpu.memory_space<hbm>>
        %dma_start3A_1040 = tpu.memref_squeeze %dma_start3A_1039 : memref<1x50x32xf32, #tpu.memory_space<hbm>> -> memref<50x32xf32, #tpu.memory_space<hbm>>
        %dma_start3A_1041 = arith.constant 100 : i32
        %dma_start3A_1042 = arith.constant 0 : i32
        %dma_start3A_1043 = tpu.memref_slice %arg10[%dma_start3A_1041, %dma_start3A_1042] : memref<400x32xf32, #tpu.memory_space<vmem>> -> memref<50x32xf32, #tpu.memory_space<vmem>>
        tpu.enqueue_dma source(%dma_start3A_1043 : memref<50x32xf32, #tpu.memory_space<vmem>>) target(%dma_start3A_1040 : memref<50x32xf32, #tpu.memory_space<hbm>>) target_semaphore(%arg16 : memref<!tpu.dma_semaphore, #tpu.memory_space<semaphore_mem>>)
        %dma_start3A_1044 = arith.constant 150 : i32
        %dma_start3A_1045 = arith.constant 0 : i32
        %dma_start3A_1046 = tpu.memref_slice %arg10[%dma_start3A_1044, %dma_start3A_1045] : memref<400x32xf32, #tpu.memory_space<vmem>> -> memref<50x32xf32, #tpu.memory_space<vmem>>
        %dma_start3A_1047 = arith.constant 0 : i32
        %dma_start3A_1048 = arith.constant 0 : i32
        %dma_start3A_1049 = tpu.memref_slice %arg4[%add3A_993, %dma_start3A_1047, %dma_start3A_1048] : memref<16384x50x32xf32, #tpu.memory_space<hbm>> -> memref<1x50x32xf32, #tpu.memory_space<hbm>>
        %dma_start3A_1050 = tpu.memref_squeeze %dma_start3A_1049 : memref<1x50x32xf32, #tpu.memory_space<hbm>> -> memref<50x32xf32, #tpu.memory_space<hbm>>
        %dma_start3A_1051 = arith.constant 0 : i32
        %dma_start3A_1052 = arith.constant 0 : i32
        %dma_start3A_1053 = tpu.memref_slice %arg4[%add3A_993, %dma_start3A_1051, %dma_start3A_1052] : memref<16384x50x32xf32, #tpu.memory_space<hbm>> -> memref<1x50x32xf32, #tpu.memory_space<hbm>>
        %dma_start3A_1054 = tpu.memref_squeeze %dma_start3A_1053 : memref<1x50x32xf32, #tpu.memory_space<hbm>> -> memref<50x32xf32, #tpu.memory_space<hbm>>
        %dma_start3A_1055 = arith.constant 150 : i32
        %dma_start3A_1056 = arith.constant 0 : i32
        %dma_start3A_1057 = tpu.memref_slice %arg10[%dma_start3A_1055, %dma_start3A_1056] : memref<400x32xf32, #tpu.memory_space<vmem>> -> memref<50x32xf32, #tpu.memory_space<vmem>>
        tpu.enqueue_dma source(%dma_start3A_1057 : memref<50x32xf32, #tpu.memory_space<vmem>>) target(%dma_start3A_1054 : memref<50x32xf32, #tpu.memory_space<hbm>>) target_semaphore(%arg16 : memref<!tpu.dma_semaphore, #tpu.memory_space<semaphore_mem>>)
        %dma_start3A_1058 = arith.constant 200 : i32
        %dma_start3A_1059 = arith.constant 0 : i32
        %dma_start3A_1060 = tpu.memref_slice %arg10[%dma_start3A_1058, %dma_start3A_1059] : memref<400x32xf32, #tpu.memory_space<vmem>> -> memref<50x32xf32, #tpu.memory_space<vmem>>
        %dma_start3A_1061 = arith.constant 0 : i32
        %dma_start3A_1062 = arith.constant 0 : i32
        %dma_start3A_1063 = tpu.memref_slice %arg4[%add3A_995, %dma_start3A_1061, %dma_start3A_1062] : memref<16384x50x32xf32, #tpu.memory_space<hbm>> -> memref<1x50x32xf32, #tpu.memory_space<hbm>>
        %dma_start3A_1064 = tpu.memref_squeeze %dma_start3A_1063 : memref<1x50x32xf32, #tpu.memory_space<hbm>> -> memref<50x32xf32, #tpu.memory_space<hbm>>
        %dma_start3A_1065 = arith.constant 0 : i32
        %dma_start3A_1066 = arith.constant 0 : i32
        %dma_start3A_1067 = tpu.memref_slice %arg4[%add3A_995, %dma_start3A_1065, %dma_start3A_1066] : memref<16384x50x32xf32, #tpu.memory_space<hbm>> -> memref<1x50x32xf32, #tpu.memory_space<hbm>>
        %dma_start3A_1068 = tpu.memref_squeeze %dma_start3A_1067 : memref<1x50x32xf32, #tpu.memory_space<hbm>> -> memref<50x32xf32, #tpu.memory_space<hbm>>
        %dma_start3A_1069 = arith.constant 200 : i32
        %dma_start3A_1070 = arith.constant 0 : i32
        %dma_start3A_1071 = tpu.memref_slice %arg10[%dma_start3A_1069, %dma_start3A_1070] : memref<400x32xf32, #tpu.memory_space<vmem>> -> memref<50x32xf32, #tpu.memory_space<vmem>>
        tpu.enqueue_dma source(%dma_start3A_1071 : memref<50x32xf32, #tpu.memory_space<vmem>>) target(%dma_start3A_1068 : memref<50x32xf32, #tpu.memory_space<hbm>>) target_semaphore(%arg16 : memref<!tpu.dma_semaphore, #tpu.memory_space<semaphore_mem>>)
        %dma_start3A_1072 = arith.constant 250 : i32
        %dma_start3A_1073 = arith.constant 0 : i32
        %dma_start3A_1074 = tpu.memref_slice %arg10[%dma_start3A_1072, %dma_start3A_1073] : memref<400x32xf32, #tpu.memory_space<vmem>> -> memref<50x32xf32, #tpu.memory_space<vmem>>
        %dma_start3A_1075 = arith.constant 0 : i32
        %dma_start3A_1076 = arith.constant 0 : i32
        %dma_start3A_1077 = tpu.memref_slice %arg4[%add3A_997, %dma_start3A_1075, %dma_start3A_1076] : memref<16384x50x32xf32, #tpu.memory_space<hbm>> -> memref<1x50x32xf32, #tpu.memory_space<hbm>>
        %dma_start3A_1078 = tpu.memref_squeeze %dma_start3A_1077 : memref<1x50x32xf32, #tpu.memory_space<hbm>> -> memref<50x32xf32, #tpu.memory_space<hbm>>
        %dma_start3A_1079 = arith.constant 0 : i32
        %dma_start3A_1080 = arith.constant 0 : i32
        %dma_start3A_1081 = tpu.memref_slice %arg4[%add3A_997, %dma_start3A_1079, %dma_start3A_1080] : memref<16384x50x32xf32, #tpu.memory_space<hbm>> -> memref<1x50x32xf32, #tpu.memory_space<hbm>>
        %dma_start3A_1082 = tpu.memref_squeeze %dma_start3A_1081 : memref<1x50x32xf32, #tpu.memory_space<hbm>> -> memref<50x32xf32, #tpu.memory_space<hbm>>
        %dma_start3A_1083 = arith.constant 250 : i32
        %dma_start3A_1084 = arith.constant 0 : i32
        %dma_start3A_1085 = tpu.memref_slice %arg10[%dma_start3A_1083, %dma_start3A_1084] : memref<400x32xf32, #tpu.memory_space<vmem>> -> memref<50x32xf32, #tpu.memory_space<vmem>>
        tpu.enqueue_dma source(%dma_start3A_1085 : memref<50x32xf32, #tpu.memory_space<vmem>>) target(%dma_start3A_1082 : memref<50x32xf32, #tpu.memory_space<hbm>>) target_semaphore(%arg16 : memref<!tpu.dma_semaphore, #tpu.memory_space<semaphore_mem>>)
        %dma_start3A_1086 = arith.constant 300 : i32
        %dma_start3A_1087 = arith.constant 0 : i32
        %dma_start3A_1088 = tpu.memref_slice %arg10[%dma_start3A_1086, %dma_start3A_1087] : memref<400x32xf32, #tpu.memory_space<vmem>> -> memref<50x32xf32, #tpu.memory_space<vmem>>
        %dma_start3A_1089 = arith.constant 0 : i32
        %dma_start3A_1090 = arith.constant 0 : i32
        %dma_start3A_1091 = tpu.memref_slice %arg4[%add3A_999, %dma_start3A_1089, %dma_start3A_1090] : memref<16384x50x32xf32, #tpu.memory_space<hbm>> -> memref<1x50x32xf32, #tpu.memory_space<hbm>>
        %dma_start3A_1092 = tpu.memref_squeeze %dma_start3A_1091 : memref<1x50x32xf32, #tpu.memory_space<hbm>> -> memref<50x32xf32, #tpu.memory_space<hbm>>
        %dma_start3A_1093 = arith.constant 0 : i32
        %dma_start3A_1094 = arith.constant 0 : i32
        %dma_start3A_1095 = tpu.memref_slice %arg4[%add3A_999, %dma_start3A_1093, %dma_start3A_1094] : memref<16384x50x32xf32, #tpu.memory_space<hbm>> -> memref<1x50x32xf32, #tpu.memory_space<hbm>>
        %dma_start3A_1096 = tpu.memref_squeeze %dma_start3A_1095 : memref<1x50x32xf32, #tpu.memory_space<hbm>> -> memref<50x32xf32, #tpu.memory_space<hbm>>
        %dma_start3A_1097 = arith.constant 300 : i32
        %dma_start3A_1098 = arith.constant 0 : i32
        %dma_start3A_1099 = tpu.memref_slice %arg10[%dma_start3A_1097, %dma_start3A_1098] : memref<400x32xf32, #tpu.memory_space<vmem>> -> memref<50x32xf32, #tpu.memory_space<vmem>>
        tpu.enqueue_dma source(%dma_start3A_1099 : memref<50x32xf32, #tpu.memory_space<vmem>>) target(%dma_start3A_1096 : memref<50x32xf32, #tpu.memory_space<hbm>>) target_semaphore(%arg16 : memref<!tpu.dma_semaphore, #tpu.memory_space<semaphore_mem>>)
        %dma_start3A_1100 = arith.constant 350 : i32
        %dma_start3A_1101 = arith.constant 0 : i32
        %dma_start3A_1102 = tpu.memref_slice %arg10[%dma_start3A_1100, %dma_start3A_1101] : memref<400x32xf32, #tpu.memory_space<vmem>> -> memref<50x32xf32, #tpu.memory_space<vmem>>
        %dma_start3A_1103 = arith.constant 0 : i32
        %dma_start3A_1104 = arith.constant 0 : i32
        %dma_start3A_1105 = tpu.memref_slice %arg4[%add3A_1001, %dma_start3A_1103, %dma_start3A_1104] : memref<16384x50x32xf32, #tpu.memory_space<hbm>> -> memref<1x50x32xf32, #tpu.memory_space<hbm>>
        %dma_start3A_1106 = tpu.memref_squeeze %dma_start3A_1105 : memref<1x50x32xf32, #tpu.memory_space<hbm>> -> memref<50x32xf32, #tpu.memory_space<hbm>>
        %dma_start3A_1107 = arith.constant 0 : i32
        %dma_start3A_1108 = arith.constant 0 : i32
        %dma_start3A_1109 = tpu.memref_slice %arg4[%add3A_1001, %dma_start3A_1107, %dma_start3A_1108] : memref<16384x50x32xf32, #tpu.memory_space<hbm>> -> memref<1x50x32xf32, #tpu.memory_space<hbm>>
        %dma_start3A_1110 = tpu.memref_squeeze %dma_start3A_1109 : memref<1x50x32xf32, #tpu.memory_space<hbm>> -> memref<50x32xf32, #tpu.memory_space<hbm>>
        %dma_start3A_1111 = arith.constant 350 : i32
        %dma_start3A_1112 = arith.constant 0 : i32
        %dma_start3A_1113 = tpu.memref_slice %arg10[%dma_start3A_1111, %dma_start3A_1112] : memref<400x32xf32, #tpu.memory_space<vmem>> -> memref<50x32xf32, #tpu.memory_space<vmem>>
        tpu.enqueue_dma source(%dma_start3A_1113 : memref<50x32xf32, #tpu.memory_space<vmem>>) target(%dma_start3A_1110 : memref<50x32xf32, #tpu.memory_space<hbm>>) target_semaphore(%arg16 : memref<!tpu.dma_semaphore, #tpu.memory_space<semaphore_mem>>)
      } else {
      }
      %add3A_629 = arith.constant 1 : i32
      %add3A_630 = arith.addi %mul3A_410, %add3A_629 : i32
      %mul3A_631 = arith.constant 8 : i32
      %mul3A_632 = arith.muli %add3A_630, %mul3A_631 : i32
      %add3A_633 = arith.addi %mul3A_2, %mul3A_632 : i32
      %multiple_of3A_634 = tpu.assume_multiple %add3A_633, 8 : i32
      %dma_wait3A_635 = arith.constant 0 : i32
      %dma_wait3A_636 = tpu.memref_slice %arg3[%multiple_of3A_634, %dma_wait3A_635] : memref<16384x50xi32, #tpu.memory_space<hbm>> -> memref<8x50xi32, #tpu.memory_space<hbm>>
      %dma_wait3A_637 = arith.constant 0 : i32
      %dma_wait3A_638 = tpu.memref_slice %arg3[%multiple_of3A_634, %dma_wait3A_637] : memref<16384x50xi32, #tpu.memory_space<hbm>> -> memref<8x50xi32, #tpu.memory_space<hbm>>
      tpu.wait_dma2 semaphore(%arg12 : memref<!tpu.dma_semaphore, #tpu.memory_space<semaphore_mem>>) src(%dma_wait3A_638 : memref<8x50xi32, #tpu.memory_space<hbm>>) dst(%arg6 : memref<8x50xi32, #tpu.memory_space<vmem>>)
      %get3A_639 = arith.constant 0 : i32
      %get3A_640 = arith.index_cast %get3A_639 : i32 to index
      %get3A_641 = arith.constant 0 : index
      %get3A_642 = tpu.vector_load %arg6[%get3A_640, %get3A_641] {strides = array<i32>} : memref<8x50xi32, #tpu.memory_space<vmem>>, vector<16xi32>,
      %swap3A_643 = arith.constant 0 : index
      %swap3A_644 = tpu.vector_load %arg8[%swap3A_643] {strides = array<i32>} : memref<400xi32, #tpu.memory_space<vmem>>, vector<16xi32>,
      tpu.vector_store %arg8[%swap3A_643], %get3A_642 {strides = array<i32>} : memref<400xi32, #tpu.memory_space<vmem>>, vector<16xi32>,
      %get3A_645 = arith.constant 0 : i32
      %get3A_646 = arith.index_cast %get3A_645 : i32 to index
      %get3A_647 = arith.constant 16 : index
      %get3A_648 = tpu.vector_load %arg6[%get3A_646, %get3A_647] {strides = array<i32>} : memref<8x50xi32, #tpu.memory_space<vmem>>, vector<16xi32>,
      %swap3A_649 = arith.constant 16 : index
      %swap3A_650 = tpu.vector_load %arg8[%swap3A_649] {strides = array<i32>} : memref<400xi32, #tpu.memory_space<vmem>>, vector<16xi32>,
      tpu.vector_store %arg8[%swap3A_649], %get3A_648 {strides = array<i32>} : memref<400xi32, #tpu.memory_space<vmem>>, vector<16xi32>,
      %get3A_651 = arith.constant 0 : i32
      %get3A_652 = arith.index_cast %get3A_651 : i32 to index
      %get3A_653 = arith.constant 32 : index
      %get3A_654 = tpu.vector_load %arg6[%get3A_652, %get3A_653] {strides = array<i32>} : memref<8x50xi32, #tpu.memory_space<vmem>>, vector<16xi32>,
      %swap3A_655 = arith.constant 32 : index
      %swap3A_656 = tpu.vector_load %arg8[%swap3A_655] {strides = array<i32>} : memref<400xi32, #tpu.memory_space<vmem>>, vector<16xi32>,
      tpu.vector_store %arg8[%swap3A_655], %get3A_654 {strides = array<i32>} : memref<400xi32, #tpu.memory_space<vmem>>, vector<16xi32>,
      %get3A_657 = arith.constant 0 : i32
      %get3A_658 = arith.index_cast %get3A_657 : i32 to index
      %get3A_659 = arith.constant 34 : index
      %get3A_660 = tpu.vector_load %arg6[%get3A_658, %get3A_659] {strides = array<i32>} : memref<8x50xi32, #tpu.memory_space<vmem>>, vector<16xi32>,
      %swap3A_661 = arith.constant 34 : index
      %swap3A_662 = tpu.vector_load %arg8[%swap3A_661] {strides = array<i32>} : memref<400xi32, #tpu.memory_space<vmem>>, vector<16xi32>,
      tpu.vector_store %arg8[%swap3A_661], %get3A_660 {strides = array<i32>} : memref<400xi32, #tpu.memory_space<vmem>>, vector<16xi32>,
      %get3A_663 = arith.constant 1 : i32
      %get3A_664 = arith.index_cast %get3A_663 : i32 to index
      %get3A_665 = arith.constant 0 : index
      %get3A_666 = tpu.vector_load %arg6[%get3A_664, %get3A_665] {strides = array<i32>} : memref<8x50xi32, #tpu.memory_space<vmem>>, vector<16xi32>,
      %swap3A_667 = arith.constant 50 : index
      %swap3A_668 = tpu.vector_load %arg8[%swap3A_667] {strides = array<i32>} : memref<400xi32, #tpu.memory_space<vmem>>, vector<16xi32>,
      tpu.vector_store %arg8[%swap3A_667], %get3A_666 {strides = array<i32>} : memref<400xi32, #tpu.memory_space<vmem>>, vector<16xi32>,
      %get3A_669 = arith.constant 1 : i32
      %get3A_670 = arith.index_cast %get3A_669 : i32 to index
      %get3A_671 = arith.constant 16 : index
      %get3A_672 = tpu.vector_load %arg6[%get3A_670, %get3A_671] {strides = array<i32>} : memref<8x50xi32, #tpu.memory_space<vmem>>, vector<16xi32>,
      %swap3A_673 = arith.constant 66 : index
      %swap3A_674 = tpu.vector_load %arg8[%swap3A_673] {strides = array<i32>} : memref<400xi32, #tpu.memory_space<vmem>>, vector<16xi32>,
      tpu.vector_store %arg8[%swap3A_673], %get3A_672 {strides = array<i32>} : memref<400xi32, #tpu.memory_space<vmem>>, vector<16xi32>,
      %get3A_675 = arith.constant 1 : i32
      %get3A_676 = arith.index_cast %get3A_675 : i32 to index
      %get3A_677 = arith.constant 32 : index
      %get3A_678 = tpu.vector_load %arg6[%get3A_676, %get3A_677] {strides = array<i32>} : memref<8x50xi32, #tpu.memory_space<vmem>>, vector<16xi32>,
      %swap3A_679 = arith.constant 82 : index
      %swap3A_680 = tpu.vector_load %arg8[%swap3A_679] {strides = array<i32>} : memref<400xi32, #tpu.memory_space<vmem>>, vector<16xi32>,
      tpu.vector_store %arg8[%swap3A_679], %get3A_678 {strides = array<i32>} : memref<400xi32, #tpu.memory_space<vmem>>, vector<16xi32>,
      %get3A_681 = arith.constant 1 : i32
      %get3A_682 = arith.index_cast %get3A_681 : i32 to index
      %get3A_683 = arith.constant 34 : index
      %get3A_684 = tpu.vector_load %arg6[%get3A_682, %get3A_683] {strides = array<i32>} : memref<8x50xi32, #tpu.memory_space<vmem>>, vector<16xi32>,
      %swap3A_685 = arith.constant 84 : index
      %swap3A_686 = tpu.vector_load %arg8[%swap3A_685] {strides = array<i32>} : memref<400xi32, #tpu.memory_space<vmem>>, vector<16xi32>,
      tpu.vector_store %arg8[%swap3A_685], %get3A_684 {strides = array<i32>} : memref<400xi32, #tpu.memory_space<vmem>>, vector<16xi32>,
      %get3A_687 = arith.constant 2 : i32
      %get3A_688 = arith.index_cast %get3A_687 : i32 to index
      %get3A_689 = arith.constant 0 : index
      %get3A_690 = tpu.vector_load %arg6[%get3A_688, %get3A_689] {strides = array<i32>} : memref<8x50xi32, #tpu.memory_space<vmem>>, vector<16xi32>,
      %swap3A_691 = arith.constant 100 : index
      %swap3A_692 = tpu.vector_load %arg8[%swap3A_691] {strides = array<i32>} : memref<400xi32, #tpu.memory_space<vmem>>, vector<16xi32>,
      tpu.vector_store %arg8[%swap3A_691], %get3A_690 {strides = array<i32>} : memref<400xi32, #tpu.memory_space<vmem>>, vector<16xi32>,
      %get3A_693 = arith.constant 2 : i32
      %get3A_694 = arith.index_cast %get3A_693 : i32 to index
      %get3A_695 = arith.constant 16 : index
      %get3A_696 = tpu.vector_load %arg6[%get3A_694, %get3A_695] {strides = array<i32>} : memref<8x50xi32, #tpu.memory_space<vmem>>, vector<16xi32>,
      %swap3A_697 = arith.constant 116 : index
      %swap3A_698 = tpu.vector_load %arg8[%swap3A_697] {strides = array<i32>} : memref<400xi32, #tpu.memory_space<vmem>>, vector<16xi32>,
      tpu.vector_store %arg8[%swap3A_697], %get3A_696 {strides = array<i32>} : memref<400xi32, #tpu.memory_space<vmem>>, vector<16xi32>,
      %get3A_699 = arith.constant 2 : i32
      %get3A_700 = arith.index_cast %get3A_699 : i32 to index
      %get3A_701 = arith.constant 32 : index
      %get3A_702 = tpu.vector_load %arg6[%get3A_700, %get3A_701] {strides = array<i32>} : memref<8x50xi32, #tpu.memory_space<vmem>>, vector<16xi32>,
      %swap3A_703 = arith.constant 132 : index
      %swap3A_704 = tpu.vector_load %arg8[%swap3A_703] {strides = array<i32>} : memref<400xi32, #tpu.memory_space<vmem>>, vector<16xi32>,
      tpu.vector_store %arg8[%swap3A_703], %get3A_702 {strides = array<i32>} : memref<400xi32, #tpu.memory_space<vmem>>, vector<16xi32>,
      %get3A_705 = arith.constant 2 : i32
      %get3A_706 = arith.index_cast %get3A_705 : i32 to index
      %get3A_707 = arith.constant 34 : index
      %get3A_708 = tpu.vector_load %arg6[%get3A_706, %get3A_707] {strides = array<i32>} : memref<8x50xi32, #tpu.memory_space<vmem>>, vector<16xi32>,
      %swap3A_709 = arith.constant 134 : index
      %swap3A_710 = tpu.vector_load %arg8[%swap3A_709] {strides = array<i32>} : memref<400xi32, #tpu.memory_space<vmem>>, vector<16xi32>,
      tpu.vector_store %arg8[%swap3A_709], %get3A_708 {strides = array<i32>} : memref<400xi32, #tpu.memory_space<vmem>>, vector<16xi32>,
      %get3A_711 = arith.constant 3 : i32
      %get3A_712 = arith.index_cast %get3A_711 : i32 to index
      %get3A_713 = arith.constant 0 : index
      %get3A_714 = tpu.vector_load %arg6[%get3A_712, %get3A_713] {strides = array<i32>} : memref<8x50xi32, #tpu.memory_space<vmem>>, vector<16xi32>,
      %swap3A_715 = arith.constant 150 : index
      %swap3A_716 = tpu.vector_load %arg8[%swap3A_715] {strides = array<i32>} : memref<400xi32, #tpu.memory_space<vmem>>, vector<16xi32>,
      tpu.vector_store %arg8[%swap3A_715], %get3A_714 {strides = array<i32>} : memref<400xi32, #tpu.memory_space<vmem>>, vector<16xi32>,
      %get3A_717 = arith.constant 3 : i32
      %get3A_718 = arith.index_cast %get3A_717 : i32 to index
      %get3A_719 = arith.constant 16 : index
      %get3A_720 = tpu.vector_load %arg6[%get3A_718, %get3A_719] {strides = array<i32>} : memref<8x50xi32, #tpu.memory_space<vmem>>, vector<16xi32>,
      %swap3A_721 = arith.constant 166 : index
      %swap3A_722 = tpu.vector_load %arg8[%swap3A_721] {strides = array<i32>} : memref<400xi32, #tpu.memory_space<vmem>>, vector<16xi32>,
      tpu.vector_store %arg8[%swap3A_721], %get3A_720 {strides = array<i32>} : memref<400xi32, #tpu.memory_space<vmem>>, vector<16xi32>,
      %get3A_723 = arith.constant 3 : i32
      %get3A_724 = arith.index_cast %get3A_723 : i32 to index
      %get3A_725 = arith.constant 32 : index
      %get3A_726 = tpu.vector_load %arg6[%get3A_724, %get3A_725] {strides = array<i32>} : memref<8x50xi32, #tpu.memory_space<vmem>>, vector<16xi32>,
      %swap3A_727 = arith.constant 182 : index
      %swap3A_728 = tpu.vector_load %arg8[%swap3A_727] {strides = array<i32>} : memref<400xi32, #tpu.memory_space<vmem>>, vector<16xi32>,
      tpu.vector_store %arg8[%swap3A_727], %get3A_726 {strides = array<i32>} : memref<400xi32, #tpu.memory_space<vmem>>, vector<16xi32>,
      %get3A_729 = arith.constant 3 : i32
      %get3A_730 = arith.index_cast %get3A_729 : i32 to index
      %get3A_731 = arith.constant 34 : index
      %get3A_732 = tpu.vector_load %arg6[%get3A_730, %get3A_731] {strides = array<i32>} : memref<8x50xi32, #tpu.memory_space<vmem>>, vector<16xi32>,
      %swap3A_733 = arith.constant 184 : index
      %swap3A_734 = tpu.vector_load %arg8[%swap3A_733] {strides = array<i32>} : memref<400xi32, #tpu.memory_space<vmem>>, vector<16xi32>,
      tpu.vector_store %arg8[%swap3A_733], %get3A_732 {strides = array<i32>} : memref<400xi32, #tpu.memory_space<vmem>>, vector<16xi32>,
      %get3A_735 = arith.constant 4 : i32
      %get3A_736 = arith.index_cast %get3A_735 : i32 to index
      %get3A_737 = arith.constant 0 : index
      %get3A_738 = tpu.vector_load %arg6[%get3A_736, %get3A_737] {strides = array<i32>} : memref<8x50xi32, #tpu.memory_space<vmem>>, vector<16xi32>,
      %swap3A_739 = arith.constant 200 : index
      %swap3A_740 = tpu.vector_load %arg8[%swap3A_739] {strides = array<i32>} : memref<400xi32, #tpu.memory_space<vmem>>, vector<16xi32>,
      tpu.vector_store %arg8[%swap3A_739], %get3A_738 {strides = array<i32>} : memref<400xi32, #tpu.memory_space<vmem>>, vector<16xi32>,
      %get3A_741 = arith.constant 4 : i32
      %get3A_742 = arith.index_cast %get3A_741 : i32 to index
      %get3A_743 = arith.constant 16 : index
      %get3A_744 = tpu.vector_load %arg6[%get3A_742, %get3A_743] {strides = array<i32>} : memref<8x50xi32, #tpu.memory_space<vmem>>, vector<16xi32>,
      %swap3A_745 = arith.constant 216 : index
      %swap3A_746 = tpu.vector_load %arg8[%swap3A_745] {strides = array<i32>} : memref<400xi32, #tpu.memory_space<vmem>>, vector<16xi32>,
      tpu.vector_store %arg8[%swap3A_745], %get3A_744 {strides = array<i32>} : memref<400xi32, #tpu.memory_space<vmem>>, vector<16xi32>,
      %get3A_747 = arith.constant 4 : i32
      %get3A_748 = arith.index_cast %get3A_747 : i32 to index
      %get3A_749 = arith.constant 32 : index
      %get3A_750 = tpu.vector_load %arg6[%get3A_748, %get3A_749] {strides = array<i32>} : memref<8x50xi32, #tpu.memory_space<vmem>>, vector<16xi32>,
      %swap3A_751 = arith.constant 232 : index
      %swap3A_752 = tpu.vector_load %arg8[%swap3A_751] {strides = array<i32>} : memref<400xi32, #tpu.memory_space<vmem>>, vector<16xi32>,
      tpu.vector_store %arg8[%swap3A_751], %get3A_750 {strides = array<i32>} : memref<400xi32, #tpu.memory_space<vmem>>, vector<16xi32>,
      %get3A_753 = arith.constant 4 : i32
      %get3A_754 = arith.index_cast %get3A_753 : i32 to index
      %get3A_755 = arith.constant 34 : index
      %get3A_756 = tpu.vector_load %arg6[%get3A_754, %get3A_755] {strides = array<i32>} : memref<8x50xi32, #tpu.memory_space<vmem>>, vector<16xi32>,
      %swap3A_757 = arith.constant 234 : index
      %swap3A_758 = tpu.vector_load %arg8[%swap3A_757] {strides = array<i32>} : memref<400xi32, #tpu.memory_space<vmem>>, vector<16xi32>,
      tpu.vector_store %arg8[%swap3A_757], %get3A_756 {strides = array<i32>} : memref<400xi32, #tpu.memory_space<vmem>>, vector<16xi32>,
      %get3A_759 = arith.constant 5 : i32
      %get3A_760 = arith.index_cast %get3A_759 : i32 to index
      %get3A_761 = arith.constant 0 : index
      %get3A_762 = tpu.vector_load %arg6[%get3A_760, %get3A_761] {strides = array<i32>} : memref<8x50xi32, #tpu.memory_space<vmem>>, vector<16xi32>,
      %swap3A_763 = arith.constant 250 : index
      %swap3A_764 = tpu.vector_load %arg8[%swap3A_763] {strides = array<i32>} : memref<400xi32, #tpu.memory_space<vmem>>, vector<16xi32>,
      tpu.vector_store %arg8[%swap3A_763], %get3A_762 {strides = array<i32>} : memref<400xi32, #tpu.memory_space<vmem>>, vector<16xi32>,
      %get3A_765 = arith.constant 5 : i32
      %get3A_766 = arith.index_cast %get3A_765 : i32 to index
      %get3A_767 = arith.constant 16 : index
      %get3A_768 = tpu.vector_load %arg6[%get3A_766, %get3A_767] {strides = array<i32>} : memref<8x50xi32, #tpu.memory_space<vmem>>, vector<16xi32>,
      %swap3A_769 = arith.constant 266 : index
      %swap3A_770 = tpu.vector_load %arg8[%swap3A_769] {strides = array<i32>} : memref<400xi32, #tpu.memory_space<vmem>>, vector<16xi32>,
      tpu.vector_store %arg8[%swap3A_769], %get3A_768 {strides = array<i32>} : memref<400xi32, #tpu.memory_space<vmem>>, vector<16xi32>,
      %get3A_771 = arith.constant 5 : i32
      %get3A_772 = arith.index_cast %get3A_771 : i32 to index
      %get3A_773 = arith.constant 32 : index
      %get3A_774 = tpu.vector_load %arg6[%get3A_772, %get3A_773] {strides = array<i32>} : memref<8x50xi32, #tpu.memory_space<vmem>>, vector<16xi32>,
      %swap3A_775 = arith.constant 282 : index
      %swap3A_776 = tpu.vector_load %arg8[%swap3A_775] {strides = array<i32>} : memref<400xi32, #tpu.memory_space<vmem>>, vector<16xi32>,
      tpu.vector_store %arg8[%swap3A_775], %get3A_774 {strides = array<i32>} : memref<400xi32, #tpu.memory_space<vmem>>, vector<16xi32>,
      %get3A_777 = arith.constant 5 : i32
      %get3A_778 = arith.index_cast %get3A_777 : i32 to index
      %get3A_779 = arith.constant 34 : index
      %get3A_780 = tpu.vector_load %arg6[%get3A_778, %get3A_779] {strides = array<i32>} : memref<8x50xi32, #tpu.memory_space<vmem>>, vector<16xi32>,
      %swap3A_781 = arith.constant 284 : index
      %swap3A_782 = tpu.vector_load %arg8[%swap3A_781] {strides = array<i32>} : memref<400xi32, #tpu.memory_space<vmem>>, vector<16xi32>,
      tpu.vector_store %arg8[%swap3A_781], %get3A_780 {strides = array<i32>} : memref<400xi32, #tpu.memory_space<vmem>>, vector<16xi32>,
      %get3A_783 = arith.constant 6 : i32
      %get3A_784 = arith.index_cast %get3A_783 : i32 to index
      %get3A_785 = arith.constant 0 : index
      %get3A_786 = tpu.vector_load %arg6[%get3A_784, %get3A_785] {strides = array<i32>} : memref<8x50xi32, #tpu.memory_space<vmem>>, vector<16xi32>,
      %swap3A_787 = arith.constant 300 : index
      %swap3A_788 = tpu.vector_load %arg8[%swap3A_787] {strides = array<i32>} : memref<400xi32, #tpu.memory_space<vmem>>, vector<16xi32>,
      tpu.vector_store %arg8[%swap3A_787], %get3A_786 {strides = array<i32>} : memref<400xi32, #tpu.memory_space<vmem>>, vector<16xi32>,
      %get3A_789 = arith.constant 6 : i32
      %get3A_790 = arith.index_cast %get3A_789 : i32 to index
      %get3A_791 = arith.constant 16 : index
      %get3A_792 = tpu.vector_load %arg6[%get3A_790, %get3A_791] {strides = array<i32>} : memref<8x50xi32, #tpu.memory_space<vmem>>, vector<16xi32>,
      %swap3A_793 = arith.constant 316 : index
      %swap3A_794 = tpu.vector_load %arg8[%swap3A_793] {strides = array<i32>} : memref<400xi32, #tpu.memory_space<vmem>>, vector<16xi32>,
      tpu.vector_store %arg8[%swap3A_793], %get3A_792 {strides = array<i32>} : memref<400xi32, #tpu.memory_space<vmem>>, vector<16xi32>,
      %get3A_795 = arith.constant 6 : i32
      %get3A_796 = arith.index_cast %get3A_795 : i32 to index
      %get3A_797 = arith.constant 32 : index
      %get3A_798 = tpu.vector_load %arg6[%get3A_796, %get3A_797] {strides = array<i32>} : memref<8x50xi32, #tpu.memory_space<vmem>>, vector<16xi32>,
      %swap3A_799 = arith.constant 332 : index
      %swap3A_800 = tpu.vector_load %arg8[%swap3A_799] {strides = array<i32>} : memref<400xi32, #tpu.memory_space<vmem>>, vector<16xi32>,
      tpu.vector_store %arg8[%swap3A_799], %get3A_798 {strides = array<i32>} : memref<400xi32, #tpu.memory_space<vmem>>, vector<16xi32>,
      %get3A_801 = arith.constant 6 : i32
      %get3A_802 = arith.index_cast %get3A_801 : i32 to index
      %get3A_803 = arith.constant 34 : index
      %get3A_804 = tpu.vector_load %arg6[%get3A_802, %get3A_803] {strides = array<i32>} : memref<8x50xi32, #tpu.memory_space<vmem>>, vector<16xi32>,
      %swap3A_805 = arith.constant 334 : index
      %swap3A_806 = tpu.vector_load %arg8[%swap3A_805] {strides = array<i32>} : memref<400xi32, #tpu.memory_space<vmem>>, vector<16xi32>,
      tpu.vector_store %arg8[%swap3A_805], %get3A_804 {strides = array<i32>} : memref<400xi32, #tpu.memory_space<vmem>>, vector<16xi32>,
      %get3A_807 = arith.constant 7 : i32
      %get3A_808 = arith.index_cast %get3A_807 : i32 to index
      %get3A_809 = arith.constant 0 : index
      %get3A_810 = tpu.vector_load %arg6[%get3A_808, %get3A_809] {strides = array<i32>} : memref<8x50xi32, #tpu.memory_space<vmem>>, vector<16xi32>,
      %swap3A_811 = arith.constant 350 : index
      %swap3A_812 = tpu.vector_load %arg8[%swap3A_811] {strides = array<i32>} : memref<400xi32, #tpu.memory_space<vmem>>, vector<16xi32>,
      tpu.vector_store %arg8[%swap3A_811], %get3A_810 {strides = array<i32>} : memref<400xi32, #tpu.memory_space<vmem>>, vector<16xi32>,
      %get3A_813 = arith.constant 7 : i32
      %get3A_814 = arith.index_cast %get3A_813 : i32 to index
      %get3A_815 = arith.constant 16 : index
      %get3A_816 = tpu.vector_load %arg6[%get3A_814, %get3A_815] {strides = array<i32>} : memref<8x50xi32, #tpu.memory_space<vmem>>, vector<16xi32>,
      %swap3A_817 = arith.constant 366 : index
      %swap3A_818 = tpu.vector_load %arg8[%swap3A_817] {strides = array<i32>} : memref<400xi32, #tpu.memory_space<vmem>>, vector<16xi32>,
      tpu.vector_store %arg8[%swap3A_817], %get3A_816 {strides = array<i32>} : memref<400xi32, #tpu.memory_space<vmem>>, vector<16xi32>,
      %get3A_819 = arith.constant 7 : i32
      %get3A_820 = arith.index_cast %get3A_819 : i32 to index
      %get3A_821 = arith.constant 32 : index
      %get3A_822 = tpu.vector_load %arg6[%get3A_820, %get3A_821] {strides = array<i32>} : memref<8x50xi32, #tpu.memory_space<vmem>>, vector<16xi32>,
      %swap3A_823 = arith.constant 382 : index
      %swap3A_824 = tpu.vector_load %arg8[%swap3A_823] {strides = array<i32>} : memref<400xi32, #tpu.memory_space<vmem>>, vector<16xi32>,
      tpu.vector_store %arg8[%swap3A_823], %get3A_822 {strides = array<i32>} : memref<400xi32, #tpu.memory_space<vmem>>, vector<16xi32>,
      %get3A_825 = arith.constant 7 : i32
      %get3A_826 = arith.index_cast %get3A_825 : i32 to index
      %get3A_827 = arith.constant 34 : index
      %get3A_828 = tpu.vector_load %arg6[%get3A_826, %get3A_827] {strides = array<i32>} : memref<8x50xi32, #tpu.memory_space<vmem>>, vector<16xi32>,
      %swap3A_829 = arith.constant 384 : index
      %swap3A_830 = tpu.vector_load %arg8[%swap3A_829] {strides = array<i32>} : memref<400xi32, #tpu.memory_space<vmem>>, vector<16xi32>,
      tpu.vector_store %arg8[%swap3A_829], %get3A_828 {strides = array<i32>} : memref<400xi32, #tpu.memory_space<vmem>>, vector<16xi32>,
      %ge3A_831 = arith.constant 1 : i32
      %ge3A_832 = arith.cmpi sge, %add3A_408, %ge3A_831 : i32
      %convert_element_type3A_833 = arith.extui %ge3A_832 : i1 to i32
      %cond3A_834 = arith.constant 0 : i32
      %cond3A_835 = arith.cmpi ne, %convert_element_type3A_833, %cond3A_834 : i32
      scf.if %cond3A_835 {
        %sub3A_978 = arith.constant 2 : i32
        %sub3A_979 = arith.subi %add3A_630, %sub3A_978 : i32
        %mul3A_980 = arith.constant 8 : i32
        %mul3A_981 = arith.muli %sub3A_979, %mul3A_980 : i32
        %add3A_982 = arith.addi %mul3A_2, %mul3A_981 : i32
        %add3A_983 = arith.constant 0 : i32
        %add3A_984 = arith.addi %add3A_982, %add3A_983 : i32
        %add3A_985 = arith.constant 1 : i32
        %add3A_986 = arith.addi %add3A_982, %add3A_985 : i32
        %add3A_987 = arith.constant 2 : i32
        %add3A_988 = arith.addi %add3A_982, %add3A_987 : i32
        %add3A_989 = arith.constant 3 : i32
        %add3A_990 = arith.addi %add3A_982, %add3A_989 : i32
        %add3A_991 = arith.constant 4 : i32
        %add3A_992 = arith.addi %add3A_982, %add3A_991 : i32
        %add3A_993 = arith.constant 5 : i32
        %add3A_994 = arith.addi %add3A_982, %add3A_993 : i32
        %add3A_995 = arith.constant 6 : i32
        %add3A_996 = arith.addi %add3A_982, %add3A_995 : i32
        %add3A_997 = arith.constant 7 : i32
        %add3A_998 = arith.addi %add3A_982, %add3A_997 : i32
        %dma_wait3A_999 = arith.constant 0 : i32
        %dma_wait3A_1000 = arith.constant 0 : i32
        %dma_wait3A_1001 = tpu.memref_slice %arg10[%dma_wait3A_999, %dma_wait3A_1000] : memref<400x32xf32, #tpu.memory_space<vmem>> -> memref<50x32xf32, #tpu.memory_space<vmem>>
        %dma_wait3A_1002 = arith.constant 0 : i32
        %dma_wait3A_1003 = arith.constant 0 : i32
        %dma_wait3A_1004 = tpu.memref_slice %arg4[%add3A_984, %dma_wait3A_1002, %dma_wait3A_1003] : memref<16384x50x32xf32, #tpu.memory_space<hbm>> -> memref<1x50x32xf32, #tpu.memory_space<hbm>>
        %dma_wait3A_1005 = tpu.memref_squeeze %dma_wait3A_1004 : memref<1x50x32xf32, #tpu.memory_space<hbm>> -> memref<50x32xf32, #tpu.memory_space<hbm>>
        %dma_wait3A_1006 = arith.constant 0 : i32
        %dma_wait3A_1007 = arith.constant 0 : i32
        %dma_wait3A_1008 = tpu.memref_slice %arg4[%add3A_984, %dma_wait3A_1006, %dma_wait3A_1007] : memref<16384x50x32xf32, #tpu.memory_space<hbm>> -> memref<1x50x32xf32, #tpu.memory_space<hbm>>
        %dma_wait3A_1009 = tpu.memref_squeeze %dma_wait3A_1008 : memref<1x50x32xf32, #tpu.memory_space<hbm>> -> memref<50x32xf32, #tpu.memory_space<hbm>>
        %dma_wait3A_1010 = arith.constant 0 : i32
        %dma_wait3A_1011 = arith.constant 0 : i32
        %dma_wait3A_1012 = tpu.memref_slice %arg10[%dma_wait3A_1010, %dma_wait3A_1011] : memref<400x32xf32, #tpu.memory_space<vmem>> -> memref<50x32xf32, #tpu.memory_space<vmem>>
        tpu.wait_dma2 semaphore(%arg16 : memref<!tpu.dma_semaphore, #tpu.memory_space<semaphore_mem>>) src(%dma_wait3A_1012 : memref<50x32xf32, #tpu.memory_space<vmem>>) dst(%dma_wait3A_1009 : memref<50x32xf32, #tpu.memory_space<hbm>>)
        %dma_wait3A_1013 = arith.constant 50 : i32
        %dma_wait3A_1014 = arith.constant 0 : i32
        %dma_wait3A_1015 = tpu.memref_slice %arg10[%dma_wait3A_1013, %dma_wait3A_1014] : memref<400x32xf32, #tpu.memory_space<vmem>> -> memref<50x32xf32, #tpu.memory_space<vmem>>
        %dma_wait3A_1016 = arith.constant 0 : i32
        %dma_wait3A_1017 = arith.constant 0 : i32
        %dma_wait3A_1018 = tpu.memref_slice %arg4[%add3A_986, %dma_wait3A_1016, %dma_wait3A_1017] : memref<16384x50x32xf32, #tpu.memory_space<hbm>> -> memref<1x50x32xf32, #tpu.memory_space<hbm>>
        %dma_wait3A_1019 = tpu.memref_squeeze %dma_wait3A_1018 : memref<1x50x32xf32, #tpu.memory_space<hbm>> -> memref<50x32xf32, #tpu.memory_space<hbm>>
        %dma_wait3A_1020 = arith.constant 0 : i32
        %dma_wait3A_1021 = arith.constant 0 : i32
        %dma_wait3A_1022 = tpu.memref_slice %arg4[%add3A_986, %dma_wait3A_1020, %dma_wait3A_1021] : memref<16384x50x32xf32, #tpu.memory_space<hbm>> -> memref<1x50x32xf32, #tpu.memory_space<hbm>>
        %dma_wait3A_1023 = tpu.memref_squeeze %dma_wait3A_1022 : memref<1x50x32xf32, #tpu.memory_space<hbm>> -> memref<50x32xf32, #tpu.memory_space<hbm>>
        %dma_wait3A_1024 = arith.constant 50 : i32
        %dma_wait3A_1025 = arith.constant 0 : i32
        %dma_wait3A_1026 = tpu.memref_slice %arg10[%dma_wait3A_1024, %dma_wait3A_1025] : memref<400x32xf32, #tpu.memory_space<vmem>> -> memref<50x32xf32, #tpu.memory_space<vmem>>
        tpu.wait_dma2 semaphore(%arg16 : memref<!tpu.dma_semaphore, #tpu.memory_space<semaphore_mem>>) src(%dma_wait3A_1026 : memref<50x32xf32, #tpu.memory_space<vmem>>) dst(%dma_wait3A_1023 : memref<50x32xf32, #tpu.memory_space<hbm>>)
        %dma_wait3A_1027 = arith.constant 100 : i32
        %dma_wait3A_1028 = arith.constant 0 : i32
        %dma_wait3A_1029 = tpu.memref_slice %arg10[%dma_wait3A_1027, %dma_wait3A_1028] : memref<400x32xf32, #tpu.memory_space<vmem>> -> memref<50x32xf32, #tpu.memory_space<vmem>>
        %dma_wait3A_1030 = arith.constant 0 : i32
        %dma_wait3A_1031 = arith.constant 0 : i32
        %dma_wait3A_1032 = tpu.memref_slice %arg4[%add3A_988, %dma_wait3A_1030, %dma_wait3A_1031] : memref<16384x50x32xf32, #tpu.memory_space<hbm>> -> memref<1x50x32xf32, #tpu.memory_space<hbm>>
        %dma_wait3A_1033 = tpu.memref_squeeze %dma_wait3A_1032 : memref<1x50x32xf32, #tpu.memory_space<hbm>> -> memref<50x32xf32, #tpu.memory_space<hbm>>
        %dma_wait3A_1034 = arith.constant 0 : i32
        %dma_wait3A_1035 = arith.constant 0 : i32
        %dma_wait3A_1036 = tpu.memref_slice %arg4[%add3A_988, %dma_wait3A_1034, %dma_wait3A_1035] : memref<16384x50x32xf32, #tpu.memory_space<hbm>> -> memref<1x50x32xf32, #tpu.memory_space<hbm>>
        %dma_wait3A_1037 = tpu.memref_squeeze %dma_wait3A_1036 : memref<1x50x32xf32, #tpu.memory_space<hbm>> -> memref<50x32xf32, #tpu.memory_space<hbm>>
        %dma_wait3A_1038 = arith.constant 100 : i32
        %dma_wait3A_1039 = arith.constant 0 : i32
        %dma_wait3A_1040 = tpu.memref_slice %arg10[%dma_wait3A_1038, %dma_wait3A_1039] : memref<400x32xf32, #tpu.memory_space<vmem>> -> memref<50x32xf32, #tpu.memory_space<vmem>>
        tpu.wait_dma2 semaphore(%arg16 : memref<!tpu.dma_semaphore, #tpu.memory_space<semaphore_mem>>) src(%dma_wait3A_1040 : memref<50x32xf32, #tpu.memory_space<vmem>>) dst(%dma_wait3A_1037 : memref<50x32xf32, #tpu.memory_space<hbm>>)
        %dma_wait3A_1041 = arith.constant 150 : i32
        %dma_wait3A_1042 = arith.constant 0 : i32
        %dma_wait3A_1043 = tpu.memref_slice %arg10[%dma_wait3A_1041, %dma_wait3A_1042] : memref<400x32xf32, #tpu.memory_space<vmem>> -> memref<50x32xf32, #tpu.memory_space<vmem>>
        %dma_wait3A_1044 = arith.constant 0 : i32
        %dma_wait3A_1045 = arith.constant 0 : i32
        %dma_wait3A_1046 = tpu.memref_slice %arg4[%add3A_990, %dma_wait3A_1044, %dma_wait3A_1045] : memref<16384x50x32xf32, #tpu.memory_space<hbm>> -> memref<1x50x32xf32, #tpu.memory_space<hbm>>
        %dma_wait3A_1047 = tpu.memref_squeeze %dma_wait3A_1046 : memref<1x50x32xf32, #tpu.memory_space<hbm>> -> memref<50x32xf32, #tpu.memory_space<hbm>>
        %dma_wait3A_1048 = arith.constant 0 : i32
        %dma_wait3A_1049 = arith.constant 0 : i32
        %dma_wait3A_1050 = tpu.memref_slice %arg4[%add3A_990, %dma_wait3A_1048, %dma_wait3A_1049] : memref<16384x50x32xf32, #tpu.memory_space<hbm>> -> memref<1x50x32xf32, #tpu.memory_space<hbm>>
        %dma_wait3A_1051 = tpu.memref_squeeze %dma_wait3A_1050 : memref<1x50x32xf32, #tpu.memory_space<hbm>> -> memref<50x32xf32, #tpu.memory_space<hbm>>
        %dma_wait3A_1052 = arith.constant 150 : i32
        %dma_wait3A_1053 = arith.constant 0 : i32
        %dma_wait3A_1054 = tpu.memref_slice %arg10[%dma_wait3A_1052, %dma_wait3A_1053] : memref<400x32xf32, #tpu.memory_space<vmem>> -> memref<50x32xf32, #tpu.memory_space<vmem>>
        tpu.wait_dma2 semaphore(%arg16 : memref<!tpu.dma_semaphore, #tpu.memory_space<semaphore_mem>>) src(%dma_wait3A_1054 : memref<50x32xf32, #tpu.memory_space<vmem>>) dst(%dma_wait3A_1051 : memref<50x32xf32, #tpu.memory_space<hbm>>)
        %dma_wait3A_1055 = arith.constant 200 : i32
        %dma_wait3A_1056 = arith.constant 0 : i32
        %dma_wait3A_1057 = tpu.memref_slice %arg10[%dma_wait3A_1055, %dma_wait3A_1056] : memref<400x32xf32, #tpu.memory_space<vmem>> -> memref<50x32xf32, #tpu.memory_space<vmem>>
        %dma_wait3A_1058 = arith.constant 0 : i32
        %dma_wait3A_1059 = arith.constant 0 : i32
        %dma_wait3A_1060 = tpu.memref_slice %arg4[%add3A_992, %dma_wait3A_1058, %dma_wait3A_1059] : memref<16384x50x32xf32, #tpu.memory_space<hbm>> -> memref<1x50x32xf32, #tpu.memory_space<hbm>>
        %dma_wait3A_1061 = tpu.memref_squeeze %dma_wait3A_1060 : memref<1x50x32xf32, #tpu.memory_space<hbm>> -> memref<50x32xf32, #tpu.memory_space<hbm>>
        %dma_wait3A_1062 = arith.constant 0 : i32
        %dma_wait3A_1063 = arith.constant 0 : i32
        %dma_wait3A_1064 = tpu.memref_slice %arg4[%add3A_992, %dma_wait3A_1062, %dma_wait3A_1063] : memref<16384x50x32xf32, #tpu.memory_space<hbm>> -> memref<1x50x32xf32, #tpu.memory_space<hbm>>
        %dma_wait3A_1065 = tpu.memref_squeeze %dma_wait3A_1064 : memref<1x50x32xf32, #tpu.memory_space<hbm>> -> memref<50x32xf32, #tpu.memory_space<hbm>>
        %dma_wait3A_1066 = arith.constant 200 : i32
        %dma_wait3A_1067 = arith.constant 0 : i32
        %dma_wait3A_1068 = tpu.memref_slice %arg10[%dma_wait3A_1066, %dma_wait3A_1067] : memref<400x32xf32, #tpu.memory_space<vmem>> -> memref<50x32xf32, #tpu.memory_space<vmem>>
        tpu.wait_dma2 semaphore(%arg16 : memref<!tpu.dma_semaphore, #tpu.memory_space<semaphore_mem>>) src(%dma_wait3A_1068 : memref<50x32xf32, #tpu.memory_space<vmem>>) dst(%dma_wait3A_1065 : memref<50x32xf32, #tpu.memory_space<hbm>>)
        %dma_wait3A_1069 = arith.constant 250 : i32
        %dma_wait3A_1070 = arith.constant 0 : i32
        %dma_wait3A_1071 = tpu.memref_slice %arg10[%dma_wait3A_1069, %dma_wait3A_1070] : memref<400x32xf32, #tpu.memory_space<vmem>> -> memref<50x32xf32, #tpu.memory_space<vmem>>
        %dma_wait3A_1072 = arith.constant 0 : i32
        %dma_wait3A_1073 = arith.constant 0 : i32
        %dma_wait3A_1074 = tpu.memref_slice %arg4[%add3A_994, %dma_wait3A_1072, %dma_wait3A_1073] : memref<16384x50x32xf32, #tpu.memory_space<hbm>> -> memref<1x50x32xf32, #tpu.memory_space<hbm>>
        %dma_wait3A_1075 = tpu.memref_squeeze %dma_wait3A_1074 : memref<1x50x32xf32, #tpu.memory_space<hbm>> -> memref<50x32xf32, #tpu.memory_space<hbm>>
        %dma_wait3A_1076 = arith.constant 0 : i32
        %dma_wait3A_1077 = arith.constant 0 : i32
        %dma_wait3A_1078 = tpu.memref_slice %arg4[%add3A_994, %dma_wait3A_1076, %dma_wait3A_1077] : memref<16384x50x32xf32, #tpu.memory_space<hbm>> -> memref<1x50x32xf32, #tpu.memory_space<hbm>>
        %dma_wait3A_1079 = tpu.memref_squeeze %dma_wait3A_1078 : memref<1x50x32xf32, #tpu.memory_space<hbm>> -> memref<50x32xf32, #tpu.memory_space<hbm>>
        %dma_wait3A_1080 = arith.constant 250 : i32
        %dma_wait3A_1081 = arith.constant 0 : i32
        %dma_wait3A_1082 = tpu.memref_slice %arg10[%dma_wait3A_1080, %dma_wait3A_1081] : memref<400x32xf32, #tpu.memory_space<vmem>> -> memref<50x32xf32, #tpu.memory_space<vmem>>
        tpu.wait_dma2 semaphore(%arg16 : memref<!tpu.dma_semaphore, #tpu.memory_space<semaphore_mem>>) src(%dma_wait3A_1082 : memref<50x32xf32, #tpu.memory_space<vmem>>) dst(%dma_wait3A_1079 : memref<50x32xf32, #tpu.memory_space<hbm>>)
        %dma_wait3A_1083 = arith.constant 300 : i32
        %dma_wait3A_1084 = arith.constant 0 : i32
        %dma_wait3A_1085 = tpu.memref_slice %arg10[%dma_wait3A_1083, %dma_wait3A_1084] : memref<400x32xf32, #tpu.memory_space<vmem>> -> memref<50x32xf32, #tpu.memory_space<vmem>>
        %dma_wait3A_1086 = arith.constant 0 : i32
        %dma_wait3A_1087 = arith.constant 0 : i32
        %dma_wait3A_1088 = tpu.memref_slice %arg4[%add3A_996, %dma_wait3A_1086, %dma_wait3A_1087] : memref<16384x50x32xf32, #tpu.memory_space<hbm>> -> memref<1x50x32xf32, #tpu.memory_space<hbm>>
        %dma_wait3A_1089 = tpu.memref_squeeze %dma_wait3A_1088 : memref<1x50x32xf32, #tpu.memory_space<hbm>> -> memref<50x32xf32, #tpu.memory_space<hbm>>
        %dma_wait3A_1090 = arith.constant 0 : i32
        %dma_wait3A_1091 = arith.constant 0 : i32
        %dma_wait3A_1092 = tpu.memref_slice %arg4[%add3A_996, %dma_wait3A_1090, %dma_wait3A_1091] : memref<16384x50x32xf32, #tpu.memory_space<hbm>> -> memref<1x50x32xf32, #tpu.memory_space<hbm>>
        %dma_wait3A_1093 = tpu.memref_squeeze %dma_wait3A_1092 : memref<1x50x32xf32, #tpu.memory_space<hbm>> -> memref<50x32xf32, #tpu.memory_space<hbm>>
        %dma_wait3A_1094 = arith.constant 300 : i32
        %dma_wait3A_1095 = arith.constant 0 : i32
        %dma_wait3A_1096 = tpu.memref_slice %arg10[%dma_wait3A_1094, %dma_wait3A_1095] : memref<400x32xf32, #tpu.memory_space<vmem>> -> memref<50x32xf32, #tpu.memory_space<vmem>>
        tpu.wait_dma2 semaphore(%arg16 : memref<!tpu.dma_semaphore, #tpu.memory_space<semaphore_mem>>) src(%dma_wait3A_1096 : memref<50x32xf32, #tpu.memory_space<vmem>>) dst(%dma_wait3A_1093 : memref<50x32xf32, #tpu.memory_space<hbm>>)
        %dma_wait3A_1097 = arith.constant 350 : i32
        %dma_wait3A_1098 = arith.constant 0 : i32
        %dma_wait3A_1099 = tpu.memref_slice %arg10[%dma_wait3A_1097, %dma_wait3A_1098] : memref<400x32xf32, #tpu.memory_space<vmem>> -> memref<50x32xf32, #tpu.memory_space<vmem>>
        %dma_wait3A_1100 = arith.constant 0 : i32
        %dma_wait3A_1101 = arith.constant 0 : i32
        %dma_wait3A_1102 = tpu.memref_slice %arg4[%add3A_998, %dma_wait3A_1100, %dma_wait3A_1101] : memref<16384x50x32xf32, #tpu.memory_space<hbm>> -> memref<1x50x32xf32, #tpu.memory_space<hbm>>
        %dma_wait3A_1103 = tpu.memref_squeeze %dma_wait3A_1102 : memref<1x50x32xf32, #tpu.memory_space<hbm>> -> memref<50x32xf32, #tpu.memory_space<hbm>>
        %dma_wait3A_1104 = arith.constant 0 : i32
        %dma_wait3A_1105 = arith.constant 0 : i32
        %dma_wait3A_1106 = tpu.memref_slice %arg4[%add3A_998, %dma_wait3A_1104, %dma_wait3A_1105] : memref<16384x50x32xf32, #tpu.memory_space<hbm>> -> memref<1x50x32xf32, #tpu.memory_space<hbm>>
        %dma_wait3A_1107 = tpu.memref_squeeze %dma_wait3A_1106 : memref<1x50x32xf32, #tpu.memory_space<hbm>> -> memref<50x32xf32, #tpu.memory_space<hbm>>
        %dma_wait3A_1108 = arith.constant 350 : i32
        %dma_wait3A_1109 = arith.constant 0 : i32
        %dma_wait3A_1110 = tpu.memref_slice %arg10[%dma_wait3A_1108, %dma_wait3A_1109] : memref<400x32xf32, #tpu.memory_space<vmem>> -> memref<50x32xf32, #tpu.memory_space<vmem>>
        tpu.wait_dma2 semaphore(%arg16 : memref<!tpu.dma_semaphore, #tpu.memory_space<semaphore_mem>>) src(%dma_wait3A_1110 : memref<50x32xf32, #tpu.memory_space<vmem>>) dst(%dma_wait3A_1107 : memref<50x32xf32, #tpu.memory_space<hbm>>)
      } else {
      }
      %dma_start3A_836 = arith.constant 0 : i32
      %dma_start3A_837 = arith.constant 0 : i32
      %dma_start3A_838 = tpu.memref_slice %arg2[%dma_start3A_836, %dma_start3A_837] : memref<1000000x32xf32, #tpu.memory_space<hbm>> -> memref<1000000x32xf32, #tpu.memory_space<hbm>>
      tpu.enqueue_indirect_dma source(%dma_start3A_838 : memref<1000000x32xf32, #tpu.memory_space<hbm>>) target(%arg10 : memref<400x32xf32, #tpu.memory_space<vmem>>) offsets(%arg8 : memref<400xi32, #tpu.memory_space<vmem>>) semaphore(%arg14 : memref<!tpu.dma_semaphore, #tpu.memory_space<semaphore_mem>>)
      %lt3A = arith.constant 31 : i32
      %lt3A_839 = arith.cmpi slt, %add3A_408, %lt3A : i32
      %convert_element_type3A_840 = arith.extui %lt3A_839 : i1 to i32
      %cond3A_841 = arith.constant 0 : i32
      %cond3A_842 = arith.cmpi ne, %convert_element_type3A_840, %cond3A_841 : i32
      scf.if %cond3A_842 {
        %add3A_978 = arith.constant 1 : i32
        %add3A_979 = arith.addi %add3A_630, %add3A_978 : i32
        %mul3A_980 = arith.constant 8 : i32
        %mul3A_981 = arith.muli %add3A_979, %mul3A_980 : i32
        %add3A_982 = arith.addi %mul3A_2, %mul3A_981 : i32
        %multiple_of3A_983 = tpu.assume_multiple %add3A_982, 8 : i32
        %dma_start3A_984 = arith.constant 0 : i32
        %dma_start3A_985 = tpu.memref_slice %arg3[%multiple_of3A_983, %dma_start3A_984] : memref<16384x50xi32, #tpu.memory_space<hbm>> -> memref<8x50xi32, #tpu.memory_space<hbm>>
        %dma_start3A_986 = arith.constant 0 : i32
        %dma_start3A_987 = tpu.memref_slice %arg3[%multiple_of3A_983, %dma_start3A_986] : memref<16384x50xi32, #tpu.memory_space<hbm>> -> memref<8x50xi32, #tpu.memory_space<hbm>>
        tpu.enqueue_dma source(%dma_start3A_987 : memref<8x50xi32, #tpu.memory_space<hbm>>) target(%arg5 : memref<8x50xi32, #tpu.memory_space<vmem>>) target_semaphore(%arg11 : memref<!tpu.dma_semaphore, #tpu.memory_space<semaphore_mem>>)
      } else {
      }
      %dma_wait3A_843 = arith.constant 0 : i32
      %dma_wait3A_844 = arith.constant 0 : i32
      %dma_wait3A_845 = tpu.memref_slice %arg2[%dma_wait3A_843, %dma_wait3A_844] : memref<1000000x32xf32, #tpu.memory_space<hbm>> -> memref<1000000x32xf32, #tpu.memory_space<hbm>>
      tpu.wait_indirect_dma semaphore(%arg13 : memref<!tpu.dma_semaphore, #tpu.memory_space<semaphore_mem>>) src(%dma_wait3A_845 : memref<1000000x32xf32, #tpu.memory_space<hbm>>) dst(%arg9 : memref<400x32xf32, #tpu.memory_space<vmem>>)
      %sub3A = arith.constant 1 : i32
      %sub3A_846 = arith.subi %add3A_630, %sub3A : i32
      %mul3A_847 = arith.constant 8 : i32
      %mul3A_848 = arith.muli %sub3A_846, %mul3A_847 : i32
      %add3A_849 = arith.addi %mul3A_2, %mul3A_848 : i32
      %add3A_850 = arith.constant 0 : i32
      %add3A_851 = arith.addi %add3A_849, %add3A_850 : i32
      %add3A_852 = arith.constant 1 : i32
      %add3A_853 = arith.addi %add3A_849, %add3A_852 : i32
      %add3A_854 = arith.constant 2 : i32
      %add3A_855 = arith.addi %add3A_849, %add3A_854 : i32
      %add3A_856 = arith.constant 3 : i32
      %add3A_857 = arith.addi %add3A_849, %add3A_856 : i32
      %add3A_858 = arith.constant 4 : i32
      %add3A_859 = arith.addi %add3A_849, %add3A_858 : i32
      %add3A_860 = arith.constant 5 : i32
      %add3A_861 = arith.addi %add3A_849, %add3A_860 : i32
      %add3A_862 = arith.constant 6 : i32
      %add3A_863 = arith.addi %add3A_849, %add3A_862 : i32
      %add3A_864 = arith.constant 7 : i32
      %add3A_865 = arith.addi %add3A_849, %add3A_864 : i32
      %dma_start3A_866 = arith.constant 0 : i32
      %dma_start3A_867 = arith.constant 0 : i32
      %dma_start3A_868 = tpu.memref_slice %arg9[%dma_start3A_866, %dma_start3A_867] : memref<400x32xf32, #tpu.memory_space<vmem>> -> memref<50x32xf32, #tpu.memory_space<vmem>>
      %dma_start3A_869 = arith.constant 0 : i32
      %dma_start3A_870 = arith.constant 0 : i32
      %dma_start3A_871 = tpu.memref_slice %arg4[%add3A_851, %dma_start3A_869, %dma_start3A_870] : memref<16384x50x32xf32, #tpu.memory_space<hbm>> -> memref<1x50x32xf32, #tpu.memory_space<hbm>>
      %dma_start3A_872 = tpu.memref_squeeze %dma_start3A_871 : memref<1x50x32xf32, #tpu.memory_space<hbm>> -> memref<50x32xf32, #tpu.memory_space<hbm>>
      %dma_start3A_873 = arith.constant 0 : i32
      %dma_start3A_874 = arith.constant 0 : i32
      %dma_start3A_875 = tpu.memref_slice %arg4[%add3A_851, %dma_start3A_873, %dma_start3A_874] : memref<16384x50x32xf32, #tpu.memory_space<hbm>> -> memref<1x50x32xf32, #tpu.memory_space<hbm>>
      %dma_start3A_876 = tpu.memref_squeeze %dma_start3A_875 : memref<1x50x32xf32, #tpu.memory_space<hbm>> -> memref<50x32xf32, #tpu.memory_space<hbm>>
      %dma_start3A_877 = arith.constant 0 : i32
      %dma_start3A_878 = arith.constant 0 : i32
      %dma_start3A_879 = tpu.memref_slice %arg9[%dma_start3A_877, %dma_start3A_878] : memref<400x32xf32, #tpu.memory_space<vmem>> -> memref<50x32xf32, #tpu.memory_space<vmem>>
      tpu.enqueue_dma source(%dma_start3A_879 : memref<50x32xf32, #tpu.memory_space<vmem>>) target(%dma_start3A_876 : memref<50x32xf32, #tpu.memory_space<hbm>>) target_semaphore(%arg15 : memref<!tpu.dma_semaphore, #tpu.memory_space<semaphore_mem>>)
      %dma_start3A_880 = arith.constant 50 : i32
      %dma_start3A_881 = arith.constant 0 : i32
      %dma_start3A_882 = tpu.memref_slice %arg9[%dma_start3A_880, %dma_start3A_881] : memref<400x32xf32, #tpu.memory_space<vmem>> -> memref<50x32xf32, #tpu.memory_space<vmem>>
      %dma_start3A_883 = arith.constant 0 : i32
      %dma_start3A_884 = arith.constant 0 : i32
      %dma_start3A_885 = tpu.memref_slice %arg4[%add3A_853, %dma_start3A_883, %dma_start3A_884] : memref<16384x50x32xf32, #tpu.memory_space<hbm>> -> memref<1x50x32xf32, #tpu.memory_space<hbm>>
      %dma_start3A_886 = tpu.memref_squeeze %dma_start3A_885 : memref<1x50x32xf32, #tpu.memory_space<hbm>> -> memref<50x32xf32, #tpu.memory_space<hbm>>
      %dma_start3A_887 = arith.constant 0 : i32
      %dma_start3A_888 = arith.constant 0 : i32
      %dma_start3A_889 = tpu.memref_slice %arg4[%add3A_853, %dma_start3A_887, %dma_start3A_888] : memref<16384x50x32xf32, #tpu.memory_space<hbm>> -> memref<1x50x32xf32, #tpu.memory_space<hbm>>
      %dma_start3A_890 = tpu.memref_squeeze %dma_start3A_889 : memref<1x50x32xf32, #tpu.memory_space<hbm>> -> memref<50x32xf32, #tpu.memory_space<hbm>>
      %dma_start3A_891 = arith.constant 50 : i32
      %dma_start3A_892 = arith.constant 0 : i32
      %dma_start3A_893 = tpu.memref_slice %arg9[%dma_start3A_891, %dma_start3A_892] : memref<400x32xf32, #tpu.memory_space<vmem>> -> memref<50x32xf32, #tpu.memory_space<vmem>>
      tpu.enqueue_dma source(%dma_start3A_893 : memref<50x32xf32, #tpu.memory_space<vmem>>) target(%dma_start3A_890 : memref<50x32xf32, #tpu.memory_space<hbm>>) target_semaphore(%arg15 : memref<!tpu.dma_semaphore, #tpu.memory_space<semaphore_mem>>)
      %dma_start3A_894 = arith.constant 100 : i32
      %dma_start3A_895 = arith.constant 0 : i32
      %dma_start3A_896 = tpu.memref_slice %arg9[%dma_start3A_894, %dma_start3A_895] : memref<400x32xf32, #tpu.memory_space<vmem>> -> memref<50x32xf32, #tpu.memory_space<vmem>>
      %dma_start3A_897 = arith.constant 0 : i32
      %dma_start3A_898 = arith.constant 0 : i32
      %dma_start3A_899 = tpu.memref_slice %arg4[%add3A_855, %dma_start3A_897, %dma_start3A_898] : memref<16384x50x32xf32, #tpu.memory_space<hbm>> -> memref<1x50x32xf32, #tpu.memory_space<hbm>>
      %dma_start3A_900 = tpu.memref_squeeze %dma_start3A_899 : memref<1x50x32xf32, #tpu.memory_space<hbm>> -> memref<50x32xf32, #tpu.memory_space<hbm>>
      %dma_start3A_901 = arith.constant 0 : i32
      %dma_start3A_902 = arith.constant 0 : i32
      %dma_start3A_903 = tpu.memref_slice %arg4[%add3A_855, %dma_start3A_901, %dma_start3A_902] : memref<16384x50x32xf32, #tpu.memory_space<hbm>> -> memref<1x50x32xf32, #tpu.memory_space<hbm>>
      %dma_start3A_904 = tpu.memref_squeeze %dma_start3A_903 : memref<1x50x32xf32, #tpu.memory_space<hbm>> -> memref<50x32xf32, #tpu.memory_space<hbm>>
      %dma_start3A_905 = arith.constant 100 : i32
      %dma_start3A_906 = arith.constant 0 : i32
      %dma_start3A_907 = tpu.memref_slice %arg9[%dma_start3A_905, %dma_start3A_906] : memref<400x32xf32, #tpu.memory_space<vmem>> -> memref<50x32xf32, #tpu.memory_space<vmem>>
      tpu.enqueue_dma source(%dma_start3A_907 : memref<50x32xf32, #tpu.memory_space<vmem>>) target(%dma_start3A_904 : memref<50x32xf32, #tpu.memory_space<hbm>>) target_semaphore(%arg15 : memref<!tpu.dma_semaphore, #tpu.memory_space<semaphore_mem>>)
      %dma_start3A_908 = arith.constant 150 : i32
      %dma_start3A_909 = arith.constant 0 : i32
      %dma_start3A_910 = tpu.memref_slice %arg9[%dma_start3A_908, %dma_start3A_909] : memref<400x32xf32, #tpu.memory_space<vmem>> -> memref<50x32xf32, #tpu.memory_space<vmem>>
      %dma_start3A_911 = arith.constant 0 : i32
      %dma_start3A_912 = arith.constant 0 : i32
      %dma_start3A_913 = tpu.memref_slice %arg4[%add3A_857, %dma_start3A_911, %dma_start3A_912] : memref<16384x50x32xf32, #tpu.memory_space<hbm>> -> memref<1x50x32xf32, #tpu.memory_space<hbm>>
      %dma_start3A_914 = tpu.memref_squeeze %dma_start3A_913 : memref<1x50x32xf32, #tpu.memory_space<hbm>> -> memref<50x32xf32, #tpu.memory_space<hbm>>
      %dma_start3A_915 = arith.constant 0 : i32
      %dma_start3A_916 = arith.constant 0 : i32
      %dma_start3A_917 = tpu.memref_slice %arg4[%add3A_857, %dma_start3A_915, %dma_start3A_916] : memref<16384x50x32xf32, #tpu.memory_space<hbm>> -> memref<1x50x32xf32, #tpu.memory_space<hbm>>
      %dma_start3A_918 = tpu.memref_squeeze %dma_start3A_917 : memref<1x50x32xf32, #tpu.memory_space<hbm>> -> memref<50x32xf32, #tpu.memory_space<hbm>>
      %dma_start3A_919 = arith.constant 150 : i32
      %dma_start3A_920 = arith.constant 0 : i32
      %dma_start3A_921 = tpu.memref_slice %arg9[%dma_start3A_919, %dma_start3A_920] : memref<400x32xf32, #tpu.memory_space<vmem>> -> memref<50x32xf32, #tpu.memory_space<vmem>>
      tpu.enqueue_dma source(%dma_start3A_921 : memref<50x32xf32, #tpu.memory_space<vmem>>) target(%dma_start3A_918 : memref<50x32xf32, #tpu.memory_space<hbm>>) target_semaphore(%arg15 : memref<!tpu.dma_semaphore, #tpu.memory_space<semaphore_mem>>)
      %dma_start3A_922 = arith.constant 200 : i32
      %dma_start3A_923 = arith.constant 0 : i32
      %dma_start3A_924 = tpu.memref_slice %arg9[%dma_start3A_922, %dma_start3A_923] : memref<400x32xf32, #tpu.memory_space<vmem>> -> memref<50x32xf32, #tpu.memory_space<vmem>>
      %dma_start3A_925 = arith.constant 0 : i32
      %dma_start3A_926 = arith.constant 0 : i32
      %dma_start3A_927 = tpu.memref_slice %arg4[%add3A_859, %dma_start3A_925, %dma_start3A_926] : memref<16384x50x32xf32, #tpu.memory_space<hbm>> -> memref<1x50x32xf32, #tpu.memory_space<hbm>>
      %dma_start3A_928 = tpu.memref_squeeze %dma_start3A_927 : memref<1x50x32xf32, #tpu.memory_space<hbm>> -> memref<50x32xf32, #tpu.memory_space<hbm>>
      %dma_start3A_929 = arith.constant 0 : i32
      %dma_start3A_930 = arith.constant 0 : i32
      %dma_start3A_931 = tpu.memref_slice %arg4[%add3A_859, %dma_start3A_929, %dma_start3A_930] : memref<16384x50x32xf32, #tpu.memory_space<hbm>> -> memref<1x50x32xf32, #tpu.memory_space<hbm>>
      %dma_start3A_932 = tpu.memref_squeeze %dma_start3A_931 : memref<1x50x32xf32, #tpu.memory_space<hbm>> -> memref<50x32xf32, #tpu.memory_space<hbm>>
      %dma_start3A_933 = arith.constant 200 : i32
      %dma_start3A_934 = arith.constant 0 : i32
      %dma_start3A_935 = tpu.memref_slice %arg9[%dma_start3A_933, %dma_start3A_934] : memref<400x32xf32, #tpu.memory_space<vmem>> -> memref<50x32xf32, #tpu.memory_space<vmem>>
      tpu.enqueue_dma source(%dma_start3A_935 : memref<50x32xf32, #tpu.memory_space<vmem>>) target(%dma_start3A_932 : memref<50x32xf32, #tpu.memory_space<hbm>>) target_semaphore(%arg15 : memref<!tpu.dma_semaphore, #tpu.memory_space<semaphore_mem>>)
      %dma_start3A_936 = arith.constant 250 : i32
      %dma_start3A_937 = arith.constant 0 : i32
      %dma_start3A_938 = tpu.memref_slice %arg9[%dma_start3A_936, %dma_start3A_937] : memref<400x32xf32, #tpu.memory_space<vmem>> -> memref<50x32xf32, #tpu.memory_space<vmem>>
      %dma_start3A_939 = arith.constant 0 : i32
      %dma_start3A_940 = arith.constant 0 : i32
      %dma_start3A_941 = tpu.memref_slice %arg4[%add3A_861, %dma_start3A_939, %dma_start3A_940] : memref<16384x50x32xf32, #tpu.memory_space<hbm>> -> memref<1x50x32xf32, #tpu.memory_space<hbm>>
      %dma_start3A_942 = tpu.memref_squeeze %dma_start3A_941 : memref<1x50x32xf32, #tpu.memory_space<hbm>> -> memref<50x32xf32, #tpu.memory_space<hbm>>
      %dma_start3A_943 = arith.constant 0 : i32
      %dma_start3A_944 = arith.constant 0 : i32
      %dma_start3A_945 = tpu.memref_slice %arg4[%add3A_861, %dma_start3A_943, %dma_start3A_944] : memref<16384x50x32xf32, #tpu.memory_space<hbm>> -> memref<1x50x32xf32, #tpu.memory_space<hbm>>
      %dma_start3A_946 = tpu.memref_squeeze %dma_start3A_945 : memref<1x50x32xf32, #tpu.memory_space<hbm>> -> memref<50x32xf32, #tpu.memory_space<hbm>>
      %dma_start3A_947 = arith.constant 250 : i32
      %dma_start3A_948 = arith.constant 0 : i32
      %dma_start3A_949 = tpu.memref_slice %arg9[%dma_start3A_947, %dma_start3A_948] : memref<400x32xf32, #tpu.memory_space<vmem>> -> memref<50x32xf32, #tpu.memory_space<vmem>>
      tpu.enqueue_dma source(%dma_start3A_949 : memref<50x32xf32, #tpu.memory_space<vmem>>) target(%dma_start3A_946 : memref<50x32xf32, #tpu.memory_space<hbm>>) target_semaphore(%arg15 : memref<!tpu.dma_semaphore, #tpu.memory_space<semaphore_mem>>)
      %dma_start3A_950 = arith.constant 300 : i32
      %dma_start3A_951 = arith.constant 0 : i32
      %dma_start3A_952 = tpu.memref_slice %arg9[%dma_start3A_950, %dma_start3A_951] : memref<400x32xf32, #tpu.memory_space<vmem>> -> memref<50x32xf32, #tpu.memory_space<vmem>>
      %dma_start3A_953 = arith.constant 0 : i32
      %dma_start3A_954 = arith.constant 0 : i32
      %dma_start3A_955 = tpu.memref_slice %arg4[%add3A_863, %dma_start3A_953, %dma_start3A_954] : memref<16384x50x32xf32, #tpu.memory_space<hbm>> -> memref<1x50x32xf32, #tpu.memory_space<hbm>>
      %dma_start3A_956 = tpu.memref_squeeze %dma_start3A_955 : memref<1x50x32xf32, #tpu.memory_space<hbm>> -> memref<50x32xf32, #tpu.memory_space<hbm>>
      %dma_start3A_957 = arith.constant 0 : i32
      %dma_start3A_958 = arith.constant 0 : i32
      %dma_start3A_959 = tpu.memref_slice %arg4[%add3A_863, %dma_start3A_957, %dma_start3A_958] : memref<16384x50x32xf32, #tpu.memory_space<hbm>> -> memref<1x50x32xf32, #tpu.memory_space<hbm>>
      %dma_start3A_960 = tpu.memref_squeeze %dma_start3A_959 : memref<1x50x32xf32, #tpu.memory_space<hbm>> -> memref<50x32xf32, #tpu.memory_space<hbm>>
      %dma_start3A_961 = arith.constant 300 : i32
      %dma_start3A_962 = arith.constant 0 : i32
      %dma_start3A_963 = tpu.memref_slice %arg9[%dma_start3A_961, %dma_start3A_962] : memref<400x32xf32, #tpu.memory_space<vmem>> -> memref<50x32xf32, #tpu.memory_space<vmem>>
      tpu.enqueue_dma source(%dma_start3A_963 : memref<50x32xf32, #tpu.memory_space<vmem>>) target(%dma_start3A_960 : memref<50x32xf32, #tpu.memory_space<hbm>>) target_semaphore(%arg15 : memref<!tpu.dma_semaphore, #tpu.memory_space<semaphore_mem>>)
      %dma_start3A_964 = arith.constant 350 : i32
      %dma_start3A_965 = arith.constant 0 : i32
      %dma_start3A_966 = tpu.memref_slice %arg9[%dma_start3A_964, %dma_start3A_965] : memref<400x32xf32, #tpu.memory_space<vmem>> -> memref<50x32xf32, #tpu.memory_space<vmem>>
      %dma_start3A_967 = arith.constant 0 : i32
      %dma_start3A_968 = arith.constant 0 : i32
      %dma_start3A_969 = tpu.memref_slice %arg4[%add3A_865, %dma_start3A_967, %dma_start3A_968] : memref<16384x50x32xf32, #tpu.memory_space<hbm>> -> memref<1x50x32xf32, #tpu.memory_space<hbm>>
      %dma_start3A_970 = tpu.memref_squeeze %dma_start3A_969 : memref<1x50x32xf32, #tpu.memory_space<hbm>> -> memref<50x32xf32, #tpu.memory_space<hbm>>
      %dma_start3A_971 = arith.constant 0 : i32
      %dma_start3A_972 = arith.constant 0 : i32
      %dma_start3A_973 = tpu.memref_slice %arg4[%add3A_865, %dma_start3A_971, %dma_start3A_972] : memref<16384x50x32xf32, #tpu.memory_space<hbm>> -> memref<1x50x32xf32, #tpu.memory_space<hbm>>
      %dma_start3A_974 = tpu.memref_squeeze %dma_start3A_973 : memref<1x50x32xf32, #tpu.memory_space<hbm>> -> memref<50x32xf32, #tpu.memory_space<hbm>>
      %dma_start3A_975 = arith.constant 350 : i32
      %dma_start3A_976 = arith.constant 0 : i32
      %dma_start3A_977 = tpu.memref_slice %arg9[%dma_start3A_975, %dma_start3A_976] : memref<400x32xf32, #tpu.memory_space<vmem>> -> memref<50x32xf32, #tpu.memory_space<vmem>>
      tpu.enqueue_dma source(%dma_start3A_977 : memref<50x32xf32, #tpu.memory_space<vmem>>) target(%dma_start3A_974 : memref<50x32xf32, #tpu.memory_space<hbm>>) target_semaphore(%arg15 : memref<!tpu.dma_semaphore, #tpu.memory_space<semaphore_mem>>)
    }
    %scan3A_11 = arith.constant 32 : i32
    %dma_wait3A = arith.constant 0 : i32
    %dma_wait3A_12 = arith.constant 0 : i32
    %dma_wait3A_13 = tpu.memref_slice %arg2[%dma_wait3A, %dma_wait3A_12] : memref<1000000x32xf32, #tpu.memory_space<hbm>> -> memref<1000000x32xf32, #tpu.memory_space<hbm>>
    tpu.wait_indirect_dma semaphore(%arg14 : memref<!tpu.dma_semaphore, #tpu.memory_space<semaphore_mem>>) src(%dma_wait3A_13 : memref<1000000x32xf32, #tpu.memory_space<hbm>>) dst(%arg10 : memref<400x32xf32, #tpu.memory_space<vmem>>)
    %add3A_14 = arith.constant 504 : i32
    %add3A_15 = arith.addi %mul3A_2, %add3A_14 : i32
    %add3A_16 = arith.constant 0 : i32
    %add3A_17 = arith.addi %add3A_15, %add3A_16 : i32
    %add3A_18 = arith.constant 1 : i32
    %add3A_19 = arith.addi %add3A_15, %add3A_18 : i32
    %add3A_20 = arith.constant 2 : i32
    %add3A_21 = arith.addi %add3A_15, %add3A_20 : i32
    %add3A_22 = arith.constant 3 : i32
    %add3A_23 = arith.addi %add3A_15, %add3A_22 : i32
    %add3A_24 = arith.constant 4 : i32
    %add3A_25 = arith.addi %add3A_15, %add3A_24 : i32
    %add3A_26 = arith.constant 5 : i32
    %add3A_27 = arith.addi %add3A_15, %add3A_26 : i32
    %add3A_28 = arith.constant 6 : i32
    %add3A_29 = arith.addi %add3A_15, %add3A_28 : i32
    %add3A_30 = arith.constant 7 : i32
    %add3A_31 = arith.addi %add3A_15, %add3A_30 : i32
    %dma_start3A_32 = arith.constant 0 : i32
    %dma_start3A_33 = arith.constant 0 : i32
    %dma_start3A_34 = tpu.memref_slice %arg10[%dma_start3A_32, %dma_start3A_33] : memref<400x32xf32, #tpu.memory_space<vmem>> -> memref<50x32xf32, #tpu.memory_space<vmem>>
    %dma_start3A_35 = arith.constant 0 : i32
    %dma_start3A_36 = arith.constant 0 : i32
    %dma_start3A_37 = tpu.memref_slice %arg4[%add3A_17, %dma_start3A_35, %dma_start3A_36] : memref<16384x50x32xf32, #tpu.memory_space<hbm>> -> memref<1x50x32xf32, #tpu.memory_space<hbm>>
    %dma_start3A_38 = tpu.memref_squeeze %dma_start3A_37 : memref<1x50x32xf32, #tpu.memory_space<hbm>> -> memref<50x32xf32, #tpu.memory_space<hbm>>
    %dma_start3A_39 = arith.constant 0 : i32
    %dma_start3A_40 = arith.constant 0 : i32
    %dma_start3A_41 = tpu.memref_slice %arg4[%add3A_17, %dma_start3A_39, %dma_start3A_40] : memref<16384x50x32xf32, #tpu.memory_space<hbm>> -> memref<1x50x32xf32, #tpu.memory_space<hbm>>
    %dma_start3A_42 = tpu.memref_squeeze %dma_start3A_41 : memref<1x50x32xf32, #tpu.memory_space<hbm>> -> memref<50x32xf32, #tpu.memory_space<hbm>>
    %dma_start3A_43 = arith.constant 0 : i32
    %dma_start3A_44 = arith.constant 0 : i32
    %dma_start3A_45 = tpu.memref_slice %arg10[%dma_start3A_43, %dma_start3A_44] : memref<400x32xf32, #tpu.memory_space<vmem>> -> memref<50x32xf32, #tpu.memory_space<vmem>>
    tpu.enqueue_dma source(%dma_start3A_45 : memref<50x32xf32, #tpu.memory_space<vmem>>) target(%dma_start3A_42 : memref<50x32xf32, #tpu.memory_space<hbm>>) target_semaphore(%arg16 : memref<!tpu.dma_semaphore, #tpu.memory_space<semaphore_mem>>)
    %dma_start3A_46 = arith.constant 50 : i32
    %dma_start3A_47 = arith.constant 0 : i32
    %dma_start3A_48 = tpu.memref_slice %arg10[%dma_start3A_46, %dma_start3A_47] : memref<400x32xf32, #tpu.memory_space<vmem>> -> memref<50x32xf32, #tpu.memory_space<vmem>>
    %dma_start3A_49 = arith.constant 0 : i32
    %dma_start3A_50 = arith.constant 0 : i32
    %dma_start3A_51 = tpu.memref_slice %arg4[%add3A_19, %dma_start3A_49, %dma_start3A_50] : memref<16384x50x32xf32, #tpu.memory_space<hbm>> -> memref<1x50x32xf32, #tpu.memory_space<hbm>>
    %dma_start3A_52 = tpu.memref_squeeze %dma_start3A_51 : memref<1x50x32xf32, #tpu.memory_space<hbm>> -> memref<50x32xf32, #tpu.memory_space<hbm>>
    %dma_start3A_53 = arith.constant 0 : i32
    %dma_start3A_54 = arith.constant 0 : i32
    %dma_start3A_55 = tpu.memref_slice %arg4[%add3A_19, %dma_start3A_53, %dma_start3A_54] : memref<16384x50x32xf32, #tpu.memory_space<hbm>> -> memref<1x50x32xf32, #tpu.memory_space<hbm>>
    %dma_start3A_56 = tpu.memref_squeeze %dma_start3A_55 : memref<1x50x32xf32, #tpu.memory_space<hbm>> -> memref<50x32xf32, #tpu.memory_space<hbm>>
    %dma_start3A_57 = arith.constant 50 : i32
    %dma_start3A_58 = arith.constant 0 : i32
    %dma_start3A_59 = tpu.memref_slice %arg10[%dma_start3A_57, %dma_start3A_58] : memref<400x32xf32, #tpu.memory_space<vmem>> -> memref<50x32xf32, #tpu.memory_space<vmem>>
    tpu.enqueue_dma source(%dma_start3A_59 : memref<50x32xf32, #tpu.memory_space<vmem>>) target(%dma_start3A_56 : memref<50x32xf32, #tpu.memory_space<hbm>>) target_semaphore(%arg16 : memref<!tpu.dma_semaphore, #tpu.memory_space<semaphore_mem>>)
    %dma_start3A_60 = arith.constant 100 : i32
    %dma_start3A_61 = arith.constant 0 : i32
    %dma_start3A_62 = tpu.memref_slice %arg10[%dma_start3A_60, %dma_start3A_61] : memref<400x32xf32, #tpu.memory_space<vmem>> -> memref<50x32xf32, #tpu.memory_space<vmem>>
    %dma_start3A_63 = arith.constant 0 : i32
    %dma_start3A_64 = arith.constant 0 : i32
    %dma_start3A_65 = tpu.memref_slice %arg4[%add3A_21, %dma_start3A_63, %dma_start3A_64] : memref<16384x50x32xf32, #tpu.memory_space<hbm>> -> memref<1x50x32xf32, #tpu.memory_space<hbm>>
    %dma_start3A_66 = tpu.memref_squeeze %dma_start3A_65 : memref<1x50x32xf32, #tpu.memory_space<hbm>> -> memref<50x32xf32, #tpu.memory_space<hbm>>
    %dma_start3A_67 = arith.constant 0 : i32
    %dma_start3A_68 = arith.constant 0 : i32
    %dma_start3A_69 = tpu.memref_slice %arg4[%add3A_21, %dma_start3A_67, %dma_start3A_68] : memref<16384x50x32xf32, #tpu.memory_space<hbm>> -> memref<1x50x32xf32, #tpu.memory_space<hbm>>
    %dma_start3A_70 = tpu.memref_squeeze %dma_start3A_69 : memref<1x50x32xf32, #tpu.memory_space<hbm>> -> memref<50x32xf32, #tpu.memory_space<hbm>>
    %dma_start3A_71 = arith.constant 100 : i32
    %dma_start3A_72 = arith.constant 0 : i32
    %dma_start3A_73 = tpu.memref_slice %arg10[%dma_start3A_71, %dma_start3A_72] : memref<400x32xf32, #tpu.memory_space<vmem>> -> memref<50x32xf32, #tpu.memory_space<vmem>>
    tpu.enqueue_dma source(%dma_start3A_73 : memref<50x32xf32, #tpu.memory_space<vmem>>) target(%dma_start3A_70 : memref<50x32xf32, #tpu.memory_space<hbm>>) target_semaphore(%arg16 : memref<!tpu.dma_semaphore, #tpu.memory_space<semaphore_mem>>)
    %dma_start3A_74 = arith.constant 150 : i32
    %dma_start3A_75 = arith.constant 0 : i32
    %dma_start3A_76 = tpu.memref_slice %arg10[%dma_start3A_74, %dma_start3A_75] : memref<400x32xf32, #tpu.memory_space<vmem>> -> memref<50x32xf32, #tpu.memory_space<vmem>>
    %dma_start3A_77 = arith.constant 0 : i32
    %dma_start3A_78 = arith.constant 0 : i32
    %dma_start3A_79 = tpu.memref_slice %arg4[%add3A_23, %dma_start3A_77, %dma_start3A_78] : memref<16384x50x32xf32, #tpu.memory_space<hbm>> -> memref<1x50x32xf32, #tpu.memory_space<hbm>>
    %dma_start3A_80 = tpu.memref_squeeze %dma_start3A_79 : memref<1x50x32xf32, #tpu.memory_space<hbm>> -> memref<50x32xf32, #tpu.memory_space<hbm>>
    %dma_start3A_81 = arith.constant 0 : i32
    %dma_start3A_82 = arith.constant 0 : i32
    %dma_start3A_83 = tpu.memref_slice %arg4[%add3A_23, %dma_start3A_81, %dma_start3A_82] : memref<16384x50x32xf32, #tpu.memory_space<hbm>> -> memref<1x50x32xf32, #tpu.memory_space<hbm>>
    %dma_start3A_84 = tpu.memref_squeeze %dma_start3A_83 : memref<1x50x32xf32, #tpu.memory_space<hbm>> -> memref<50x32xf32, #tpu.memory_space<hbm>>
    %dma_start3A_85 = arith.constant 150 : i32
    %dma_start3A_86 = arith.constant 0 : i32
    %dma_start3A_87 = tpu.memref_slice %arg10[%dma_start3A_85, %dma_start3A_86] : memref<400x32xf32, #tpu.memory_space<vmem>> -> memref<50x32xf32, #tpu.memory_space<vmem>>
    tpu.enqueue_dma source(%dma_start3A_87 : memref<50x32xf32, #tpu.memory_space<vmem>>) target(%dma_start3A_84 : memref<50x32xf32, #tpu.memory_space<hbm>>) target_semaphore(%arg16 : memref<!tpu.dma_semaphore, #tpu.memory_space<semaphore_mem>>)
    %dma_start3A_88 = arith.constant 200 : i32
    %dma_start3A_89 = arith.constant 0 : i32
    %dma_start3A_90 = tpu.memref_slice %arg10[%dma_start3A_88, %dma_start3A_89] : memref<400x32xf32, #tpu.memory_space<vmem>> -> memref<50x32xf32, #tpu.memory_space<vmem>>
    %dma_start3A_91 = arith.constant 0 : i32
    %dma_start3A_92 = arith.constant 0 : i32
    %dma_start3A_93 = tpu.memref_slice %arg4[%add3A_25, %dma_start3A_91, %dma_start3A_92] : memref<16384x50x32xf32, #tpu.memory_space<hbm>> -> memref<1x50x32xf32, #tpu.memory_space<hbm>>
    %dma_start3A_94 = tpu.memref_squeeze %dma_start3A_93 : memref<1x50x32xf32, #tpu.memory_space<hbm>> -> memref<50x32xf32, #tpu.memory_space<hbm>>
    %dma_start3A_95 = arith.constant 0 : i32
    %dma_start3A_96 = arith.constant 0 : i32
    %dma_start3A_97 = tpu.memref_slice %arg4[%add3A_25, %dma_start3A_95, %dma_start3A_96] : memref<16384x50x32xf32, #tpu.memory_space<hbm>> -> memref<1x50x32xf32, #tpu.memory_space<hbm>>
    %dma_start3A_98 = tpu.memref_squeeze %dma_start3A_97 : memref<1x50x32xf32, #tpu.memory_space<hbm>> -> memref<50x32xf32, #tpu.memory_space<hbm>>
    %dma_start3A_99 = arith.constant 200 : i32
    %dma_start3A_100 = arith.constant 0 : i32
    %dma_start3A_101 = tpu.memref_slice %arg10[%dma_start3A_99, %dma_start3A_100] : memref<400x32xf32, #tpu.memory_space<vmem>> -> memref<50x32xf32, #tpu.memory_space<vmem>>
    tpu.enqueue_dma source(%dma_start3A_101 : memref<50x32xf32, #tpu.memory_space<vmem>>) target(%dma_start3A_98 : memref<50x32xf32, #tpu.memory_space<hbm>>) target_semaphore(%arg16 : memref<!tpu.dma_semaphore, #tpu.memory_space<semaphore_mem>>)
    %dma_start3A_102 = arith.constant 250 : i32
    %dma_start3A_103 = arith.constant 0 : i32
    %dma_start3A_104 = tpu.memref_slice %arg10[%dma_start3A_102, %dma_start3A_103] : memref<400x32xf32, #tpu.memory_space<vmem>> -> memref<50x32xf32, #tpu.memory_space<vmem>>
    %dma_start3A_105 = arith.constant 0 : i32
    %dma_start3A_106 = arith.constant 0 : i32
    %dma_start3A_107 = tpu.memref_slice %arg4[%add3A_27, %dma_start3A_105, %dma_start3A_106] : memref<16384x50x32xf32, #tpu.memory_space<hbm>> -> memref<1x50x32xf32, #tpu.memory_space<hbm>>
    %dma_start3A_108 = tpu.memref_squeeze %dma_start3A_107 : memref<1x50x32xf32, #tpu.memory_space<hbm>> -> memref<50x32xf32, #tpu.memory_space<hbm>>
    %dma_start3A_109 = arith.constant 0 : i32
    %dma_start3A_110 = arith.constant 0 : i32
    %dma_start3A_111 = tpu.memref_slice %arg4[%add3A_27, %dma_start3A_109, %dma_start3A_110] : memref<16384x50x32xf32, #tpu.memory_space<hbm>> -> memref<1x50x32xf32, #tpu.memory_space<hbm>>
    %dma_start3A_112 = tpu.memref_squeeze %dma_start3A_111 : memref<1x50x32xf32, #tpu.memory_space<hbm>> -> memref<50x32xf32, #tpu.memory_space<hbm>>
    %dma_start3A_113 = arith.constant 250 : i32
    %dma_start3A_114 = arith.constant 0 : i32
    %dma_start3A_115 = tpu.memref_slice %arg10[%dma_start3A_113, %dma_start3A_114] : memref<400x32xf32, #tpu.memory_space<vmem>> -> memref<50x32xf32, #tpu.memory_space<vmem>>
    tpu.enqueue_dma source(%dma_start3A_115 : memref<50x32xf32, #tpu.memory_space<vmem>>) target(%dma_start3A_112 : memref<50x32xf32, #tpu.memory_space<hbm>>) target_semaphore(%arg16 : memref<!tpu.dma_semaphore, #tpu.memory_space<semaphore_mem>>)
    %dma_start3A_116 = arith.constant 300 : i32
    %dma_start3A_117 = arith.constant 0 : i32
    %dma_start3A_118 = tpu.memref_slice %arg10[%dma_start3A_116, %dma_start3A_117] : memref<400x32xf32, #tpu.memory_space<vmem>> -> memref<50x32xf32, #tpu.memory_space<vmem>>
    %dma_start3A_119 = arith.constant 0 : i32
    %dma_start3A_120 = arith.constant 0 : i32
    %dma_start3A_121 = tpu.memref_slice %arg4[%add3A_29, %dma_start3A_119, %dma_start3A_120] : memref<16384x50x32xf32, #tpu.memory_space<hbm>> -> memref<1x50x32xf32, #tpu.memory_space<hbm>>
    %dma_start3A_122 = tpu.memref_squeeze %dma_start3A_121 : memref<1x50x32xf32, #tpu.memory_space<hbm>> -> memref<50x32xf32, #tpu.memory_space<hbm>>
    %dma_start3A_123 = arith.constant 0 : i32
    %dma_start3A_124 = arith.constant 0 : i32
    %dma_start3A_125 = tpu.memref_slice %arg4[%add3A_29, %dma_start3A_123, %dma_start3A_124] : memref<16384x50x32xf32, #tpu.memory_space<hbm>> -> memref<1x50x32xf32, #tpu.memory_space<hbm>>
    %dma_start3A_126 = tpu.memref_squeeze %dma_start3A_125 : memref<1x50x32xf32, #tpu.memory_space<hbm>> -> memref<50x32xf32, #tpu.memory_space<hbm>>
    %dma_start3A_127 = arith.constant 300 : i32
    %dma_start3A_128 = arith.constant 0 : i32
    %dma_start3A_129 = tpu.memref_slice %arg10[%dma_start3A_127, %dma_start3A_128] : memref<400x32xf32, #tpu.memory_space<vmem>> -> memref<50x32xf32, #tpu.memory_space<vmem>>
    tpu.enqueue_dma source(%dma_start3A_129 : memref<50x32xf32, #tpu.memory_space<vmem>>) target(%dma_start3A_126 : memref<50x32xf32, #tpu.memory_space<hbm>>) target_semaphore(%arg16 : memref<!tpu.dma_semaphore, #tpu.memory_space<semaphore_mem>>)
    %dma_start3A_130 = arith.constant 350 : i32
    %dma_start3A_131 = arith.constant 0 : i32
    %dma_start3A_132 = tpu.memref_slice %arg10[%dma_start3A_130, %dma_start3A_131] : memref<400x32xf32, #tpu.memory_space<vmem>> -> memref<50x32xf32, #tpu.memory_space<vmem>>
    %dma_start3A_133 = arith.constant 0 : i32
    %dma_start3A_134 = arith.constant 0 : i32
    %dma_start3A_135 = tpu.memref_slice %arg4[%add3A_31, %dma_start3A_133, %dma_start3A_134] : memref<16384x50x32xf32, #tpu.memory_space<hbm>> -> memref<1x50x32xf32, #tpu.memory_space<hbm>>
    %dma_start3A_136 = tpu.memref_squeeze %dma_start3A_135 : memref<1x50x32xf32, #tpu.memory_space<hbm>> -> memref<50x32xf32, #tpu.memory_space<hbm>>
    %dma_start3A_137 = arith.constant 0 : i32
    %dma_start3A_138 = arith.constant 0 : i32
    %dma_start3A_139 = tpu.memref_slice %arg4[%add3A_31, %dma_start3A_137, %dma_start3A_138] : memref<16384x50x32xf32, #tpu.memory_space<hbm>> -> memref<1x50x32xf32, #tpu.memory_space<hbm>>
    %dma_start3A_140 = tpu.memref_squeeze %dma_start3A_139 : memref<1x50x32xf32, #tpu.memory_space<hbm>> -> memref<50x32xf32, #tpu.memory_space<hbm>>
    %dma_start3A_141 = arith.constant 350 : i32
    %dma_start3A_142 = arith.constant 0 : i32
    %dma_start3A_143 = tpu.memref_slice %arg10[%dma_start3A_141, %dma_start3A_142] : memref<400x32xf32, #tpu.memory_space<vmem>> -> memref<50x32xf32, #tpu.memory_space<vmem>>
    tpu.enqueue_dma source(%dma_start3A_143 : memref<50x32xf32, #tpu.memory_space<vmem>>) target(%dma_start3A_140 : memref<50x32xf32, #tpu.memory_space<hbm>>) target_semaphore(%arg16 : memref<!tpu.dma_semaphore, #tpu.memory_space<semaphore_mem>>)
    %add3A_144 = arith.constant 496 : i32
    %add3A_145 = arith.addi %mul3A_2, %add3A_144 : i32
    %add3A_146 = arith.constant 0 : i32
    %add3A_147 = arith.addi %add3A_145, %add3A_146 : i32
    %add3A_148 = arith.constant 1 : i32
    %add3A_149 = arith.addi %add3A_145, %add3A_148 : i32
    %add3A_150 = arith.constant 2 : i32
    %add3A_151 = arith.addi %add3A_145, %add3A_150 : i32
    %add3A_152 = arith.constant 3 : i32
    %add3A_153 = arith.addi %add3A_145, %add3A_152 : i32
    %add3A_154 = arith.constant 4 : i32
    %add3A_155 = arith.addi %add3A_145, %add3A_154 : i32
    %add3A_156 = arith.constant 5 : i32
    %add3A_157 = arith.addi %add3A_145, %add3A_156 : i32
    %add3A_158 = arith.constant 6 : i32
    %add3A_159 = arith.addi %add3A_145, %add3A_158 : i32
    %add3A_160 = arith.constant 7 : i32
    %add3A_161 = arith.addi %add3A_145, %add3A_160 : i32
    %dma_wait3A_162 = arith.constant 0 : i32
    %dma_wait3A_163 = arith.constant 0 : i32
    %dma_wait3A_164 = tpu.memref_slice %arg9[%dma_wait3A_162, %dma_wait3A_163] : memref<400x32xf32, #tpu.memory_space<vmem>> -> memref<50x32xf32, #tpu.memory_space<vmem>>
    %dma_wait3A_165 = arith.constant 0 : i32
    %dma_wait3A_166 = arith.constant 0 : i32
    %dma_wait3A_167 = tpu.memref_slice %arg4[%add3A_147, %dma_wait3A_165, %dma_wait3A_166] : memref<16384x50x32xf32, #tpu.memory_space<hbm>> -> memref<1x50x32xf32, #tpu.memory_space<hbm>>
    %dma_wait3A_168 = tpu.memref_squeeze %dma_wait3A_167 : memref<1x50x32xf32, #tpu.memory_space<hbm>> -> memref<50x32xf32, #tpu.memory_space<hbm>>
    %dma_wait3A_169 = arith.constant 0 : i32
    %dma_wait3A_170 = arith.constant 0 : i32
    %dma_wait3A_171 = tpu.memref_slice %arg4[%add3A_147, %dma_wait3A_169, %dma_wait3A_170] : memref<16384x50x32xf32, #tpu.memory_space<hbm>> -> memref<1x50x32xf32, #tpu.memory_space<hbm>>
    %dma_wait3A_172 = tpu.memref_squeeze %dma_wait3A_171 : memref<1x50x32xf32, #tpu.memory_space<hbm>> -> memref<50x32xf32, #tpu.memory_space<hbm>>
    %dma_wait3A_173 = arith.constant 0 : i32
    %dma_wait3A_174 = arith.constant 0 : i32
    %dma_wait3A_175 = tpu.memref_slice %arg9[%dma_wait3A_173, %dma_wait3A_174] : memref<400x32xf32, #tpu.memory_space<vmem>> -> memref<50x32xf32, #tpu.memory_space<vmem>>
    tpu.wait_dma2 semaphore(%arg15 : memref<!tpu.dma_semaphore, #tpu.memory_space<semaphore_mem>>) src(%dma_wait3A_175 : memref<50x32xf32, #tpu.memory_space<vmem>>) dst(%dma_wait3A_172 : memref<50x32xf32, #tpu.memory_space<hbm>>)
    %dma_wait3A_176 = arith.constant 50 : i32
    %dma_wait3A_177 = arith.constant 0 : i32
    %dma_wait3A_178 = tpu.memref_slice %arg9[%dma_wait3A_176, %dma_wait3A_177] : memref<400x32xf32, #tpu.memory_space<vmem>> -> memref<50x32xf32, #tpu.memory_space<vmem>>
    %dma_wait3A_179 = arith.constant 0 : i32
    %dma_wait3A_180 = arith.constant 0 : i32
    %dma_wait3A_181 = tpu.memref_slice %arg4[%add3A_149, %dma_wait3A_179, %dma_wait3A_180] : memref<16384x50x32xf32, #tpu.memory_space<hbm>> -> memref<1x50x32xf32, #tpu.memory_space<hbm>>
    %dma_wait3A_182 = tpu.memref_squeeze %dma_wait3A_181 : memref<1x50x32xf32, #tpu.memory_space<hbm>> -> memref<50x32xf32, #tpu.memory_space<hbm>>
    %dma_wait3A_183 = arith.constant 0 : i32
    %dma_wait3A_184 = arith.constant 0 : i32
    %dma_wait3A_185 = tpu.memref_slice %arg4[%add3A_149, %dma_wait3A_183, %dma_wait3A_184] : memref<16384x50x32xf32, #tpu.memory_space<hbm>> -> memref<1x50x32xf32, #tpu.memory_space<hbm>>
    %dma_wait3A_186 = tpu.memref_squeeze %dma_wait3A_185 : memref<1x50x32xf32, #tpu.memory_space<hbm>> -> memref<50x32xf32, #tpu.memory_space<hbm>>
    %dma_wait3A_187 = arith.constant 50 : i32
    %dma_wait3A_188 = arith.constant 0 : i32
    %dma_wait3A_189 = tpu.memref_slice %arg9[%dma_wait3A_187, %dma_wait3A_188] : memref<400x32xf32, #tpu.memory_space<vmem>> -> memref<50x32xf32, #tpu.memory_space<vmem>>
    tpu.wait_dma2 semaphore(%arg15 : memref<!tpu.dma_semaphore, #tpu.memory_space<semaphore_mem>>) src(%dma_wait3A_189 : memref<50x32xf32, #tpu.memory_space<vmem>>) dst(%dma_wait3A_186 : memref<50x32xf32, #tpu.memory_space<hbm>>)
    %dma_wait3A_190 = arith.constant 100 : i32
    %dma_wait3A_191 = arith.constant 0 : i32
    %dma_wait3A_192 = tpu.memref_slice %arg9[%dma_wait3A_190, %dma_wait3A_191] : memref<400x32xf32, #tpu.memory_space<vmem>> -> memref<50x32xf32, #tpu.memory_space<vmem>>
    %dma_wait3A_193 = arith.constant 0 : i32
    %dma_wait3A_194 = arith.constant 0 : i32
    %dma_wait3A_195 = tpu.memref_slice %arg4[%add3A_151, %dma_wait3A_193, %dma_wait3A_194] : memref<16384x50x32xf32, #tpu.memory_space<hbm>> -> memref<1x50x32xf32, #tpu.memory_space<hbm>>
    %dma_wait3A_196 = tpu.memref_squeeze %dma_wait3A_195 : memref<1x50x32xf32, #tpu.memory_space<hbm>> -> memref<50x32xf32, #tpu.memory_space<hbm>>
    %dma_wait3A_197 = arith.constant 0 : i32
    %dma_wait3A_198 = arith.constant 0 : i32
    %dma_wait3A_199 = tpu.memref_slice %arg4[%add3A_151, %dma_wait3A_197, %dma_wait3A_198] : memref<16384x50x32xf32, #tpu.memory_space<hbm>> -> memref<1x50x32xf32, #tpu.memory_space<hbm>>
    %dma_wait3A_200 = tpu.memref_squeeze %dma_wait3A_199 : memref<1x50x32xf32, #tpu.memory_space<hbm>> -> memref<50x32xf32, #tpu.memory_space<hbm>>
    %dma_wait3A_201 = arith.constant 100 : i32
    %dma_wait3A_202 = arith.constant 0 : i32
    %dma_wait3A_203 = tpu.memref_slice %arg9[%dma_wait3A_201, %dma_wait3A_202] : memref<400x32xf32, #tpu.memory_space<vmem>> -> memref<50x32xf32, #tpu.memory_space<vmem>>
    tpu.wait_dma2 semaphore(%arg15 : memref<!tpu.dma_semaphore, #tpu.memory_space<semaphore_mem>>) src(%dma_wait3A_203 : memref<50x32xf32, #tpu.memory_space<vmem>>) dst(%dma_wait3A_200 : memref<50x32xf32, #tpu.memory_space<hbm>>)
    %dma_wait3A_204 = arith.constant 150 : i32
    %dma_wait3A_205 = arith.constant 0 : i32
    %dma_wait3A_206 = tpu.memref_slice %arg9[%dma_wait3A_204, %dma_wait3A_205] : memref<400x32xf32, #tpu.memory_space<vmem>> -> memref<50x32xf32, #tpu.memory_space<vmem>>
    %dma_wait3A_207 = arith.constant 0 : i32
    %dma_wait3A_208 = arith.constant 0 : i32
    %dma_wait3A_209 = tpu.memref_slice %arg4[%add3A_153, %dma_wait3A_207, %dma_wait3A_208] : memref<16384x50x32xf32, #tpu.memory_space<hbm>> -> memref<1x50x32xf32, #tpu.memory_space<hbm>>
    %dma_wait3A_210 = tpu.memref_squeeze %dma_wait3A_209 : memref<1x50x32xf32, #tpu.memory_space<hbm>> -> memref<50x32xf32, #tpu.memory_space<hbm>>
    %dma_wait3A_211 = arith.constant 0 : i32
    %dma_wait3A_212 = arith.constant 0 : i32
    %dma_wait3A_213 = tpu.memref_slice %arg4[%add3A_153, %dma_wait3A_211, %dma_wait3A_212] : memref<16384x50x32xf32, #tpu.memory_space<hbm>> -> memref<1x50x32xf32, #tpu.memory_space<hbm>>
    %dma_wait3A_214 = tpu.memref_squeeze %dma_wait3A_213 : memref<1x50x32xf32, #tpu.memory_space<hbm>> -> memref<50x32xf32, #tpu.memory_space<hbm>>
    %dma_wait3A_215 = arith.constant 150 : i32
    %dma_wait3A_216 = arith.constant 0 : i32
    %dma_wait3A_217 = tpu.memref_slice %arg9[%dma_wait3A_215, %dma_wait3A_216] : memref<400x32xf32, #tpu.memory_space<vmem>> -> memref<50x32xf32, #tpu.memory_space<vmem>>
    tpu.wait_dma2 semaphore(%arg15 : memref<!tpu.dma_semaphore, #tpu.memory_space<semaphore_mem>>) src(%dma_wait3A_217 : memref<50x32xf32, #tpu.memory_space<vmem>>) dst(%dma_wait3A_214 : memref<50x32xf32, #tpu.memory_space<hbm>>)
    %dma_wait3A_218 = arith.constant 200 : i32
    %dma_wait3A_219 = arith.constant 0 : i32
    %dma_wait3A_220 = tpu.memref_slice %arg9[%dma_wait3A_218, %dma_wait3A_219] : memref<400x32xf32, #tpu.memory_space<vmem>> -> memref<50x32xf32, #tpu.memory_space<vmem>>
    %dma_wait3A_221 = arith.constant 0 : i32
    %dma_wait3A_222 = arith.constant 0 : i32
    %dma_wait3A_223 = tpu.memref_slice %arg4[%add3A_155, %dma_wait3A_221, %dma_wait3A_222] : memref<16384x50x32xf32, #tpu.memory_space<hbm>> -> memref<1x50x32xf32, #tpu.memory_space<hbm>>
    %dma_wait3A_224 = tpu.memref_squeeze %dma_wait3A_223 : memref<1x50x32xf32, #tpu.memory_space<hbm>> -> memref<50x32xf32, #tpu.memory_space<hbm>>
    %dma_wait3A_225 = arith.constant 0 : i32
    %dma_wait3A_226 = arith.constant 0 : i32
    %dma_wait3A_227 = tpu.memref_slice %arg4[%add3A_155, %dma_wait3A_225, %dma_wait3A_226] : memref<16384x50x32xf32, #tpu.memory_space<hbm>> -> memref<1x50x32xf32, #tpu.memory_space<hbm>>
    %dma_wait3A_228 = tpu.memref_squeeze %dma_wait3A_227 : memref<1x50x32xf32, #tpu.memory_space<hbm>> -> memref<50x32xf32, #tpu.memory_space<hbm>>
    %dma_wait3A_229 = arith.constant 200 : i32
    %dma_wait3A_230 = arith.constant 0 : i32
    %dma_wait3A_231 = tpu.memref_slice %arg9[%dma_wait3A_229, %dma_wait3A_230] : memref<400x32xf32, #tpu.memory_space<vmem>> -> memref<50x32xf32, #tpu.memory_space<vmem>>
    tpu.wait_dma2 semaphore(%arg15 : memref<!tpu.dma_semaphore, #tpu.memory_space<semaphore_mem>>) src(%dma_wait3A_231 : memref<50x32xf32, #tpu.memory_space<vmem>>) dst(%dma_wait3A_228 : memref<50x32xf32, #tpu.memory_space<hbm>>)
    %dma_wait3A_232 = arith.constant 250 : i32
    %dma_wait3A_233 = arith.constant 0 : i32
    %dma_wait3A_234 = tpu.memref_slice %arg9[%dma_wait3A_232, %dma_wait3A_233] : memref<400x32xf32, #tpu.memory_space<vmem>> -> memref<50x32xf32, #tpu.memory_space<vmem>>
    %dma_wait3A_235 = arith.constant 0 : i32
    %dma_wait3A_236 = arith.constant 0 : i32
    %dma_wait3A_237 = tpu.memref_slice %arg4[%add3A_157, %dma_wait3A_235, %dma_wait3A_236] : memref<16384x50x32xf32, #tpu.memory_space<hbm>> -> memref<1x50x32xf32, #tpu.memory_space<hbm>>
    %dma_wait3A_238 = tpu.memref_squeeze %dma_wait3A_237 : memref<1x50x32xf32, #tpu.memory_space<hbm>> -> memref<50x32xf32, #tpu.memory_space<hbm>>
    %dma_wait3A_239 = arith.constant 0 : i32
    %dma_wait3A_240 = arith.constant 0 : i32
    %dma_wait3A_241 = tpu.memref_slice %arg4[%add3A_157, %dma_wait3A_239, %dma_wait3A_240] : memref<16384x50x32xf32, #tpu.memory_space<hbm>> -> memref<1x50x32xf32, #tpu.memory_space<hbm>>
    %dma_wait3A_242 = tpu.memref_squeeze %dma_wait3A_241 : memref<1x50x32xf32, #tpu.memory_space<hbm>> -> memref<50x32xf32, #tpu.memory_space<hbm>>
    %dma_wait3A_243 = arith.constant 250 : i32
    %dma_wait3A_244 = arith.constant 0 : i32
    %dma_wait3A_245 = tpu.memref_slice %arg9[%dma_wait3A_243, %dma_wait3A_244] : memref<400x32xf32, #tpu.memory_space<vmem>> -> memref<50x32xf32, #tpu.memory_space<vmem>>
    tpu.wait_dma2 semaphore(%arg15 : memref<!tpu.dma_semaphore, #tpu.memory_space<semaphore_mem>>) src(%dma_wait3A_245 : memref<50x32xf32, #tpu.memory_space<vmem>>) dst(%dma_wait3A_242 : memref<50x32xf32, #tpu.memory_space<hbm>>)
    %dma_wait3A_246 = arith.constant 300 : i32
    %dma_wait3A_247 = arith.constant 0 : i32
    %dma_wait3A_248 = tpu.memref_slice %arg9[%dma_wait3A_246, %dma_wait3A_247] : memref<400x32xf32, #tpu.memory_space<vmem>> -> memref<50x32xf32, #tpu.memory_space<vmem>>
    %dma_wait3A_249 = arith.constant 0 : i32
    %dma_wait3A_250 = arith.constant 0 : i32
    %dma_wait3A_251 = tpu.memref_slice %arg4[%add3A_159, %dma_wait3A_249, %dma_wait3A_250] : memref<16384x50x32xf32, #tpu.memory_space<hbm>> -> memref<1x50x32xf32, #tpu.memory_space<hbm>>
    %dma_wait3A_252 = tpu.memref_squeeze %dma_wait3A_251 : memref<1x50x32xf32, #tpu.memory_space<hbm>> -> memref<50x32xf32, #tpu.memory_space<hbm>>
    %dma_wait3A_253 = arith.constant 0 : i32
    %dma_wait3A_254 = arith.constant 0 : i32
    %dma_wait3A_255 = tpu.memref_slice %arg4[%add3A_159, %dma_wait3A_253, %dma_wait3A_254] : memref<16384x50x32xf32, #tpu.memory_space<hbm>> -> memref<1x50x32xf32, #tpu.memory_space<hbm>>
    %dma_wait3A_256 = tpu.memref_squeeze %dma_wait3A_255 : memref<1x50x32xf32, #tpu.memory_space<hbm>> -> memref<50x32xf32, #tpu.memory_space<hbm>>
    %dma_wait3A_257 = arith.constant 300 : i32
    %dma_wait3A_258 = arith.constant 0 : i32
    %dma_wait3A_259 = tpu.memref_slice %arg9[%dma_wait3A_257, %dma_wait3A_258] : memref<400x32xf32, #tpu.memory_space<vmem>> -> memref<50x32xf32, #tpu.memory_space<vmem>>
    tpu.wait_dma2 semaphore(%arg15 : memref<!tpu.dma_semaphore, #tpu.memory_space<semaphore_mem>>) src(%dma_wait3A_259 : memref<50x32xf32, #tpu.memory_space<vmem>>) dst(%dma_wait3A_256 : memref<50x32xf32, #tpu.memory_space<hbm>>)
    %dma_wait3A_260 = arith.constant 350 : i32
    %dma_wait3A_261 = arith.constant 0 : i32
    %dma_wait3A_262 = tpu.memref_slice %arg9[%dma_wait3A_260, %dma_wait3A_261] : memref<400x32xf32, #tpu.memory_space<vmem>> -> memref<50x32xf32, #tpu.memory_space<vmem>>
    %dma_wait3A_263 = arith.constant 0 : i32
    %dma_wait3A_264 = arith.constant 0 : i32
    %dma_wait3A_265 = tpu.memref_slice %arg4[%add3A_161, %dma_wait3A_263, %dma_wait3A_264] : memref<16384x50x32xf32, #tpu.memory_space<hbm>> -> memref<1x50x32xf32, #tpu.memory_space<hbm>>
    %dma_wait3A_266 = tpu.memref_squeeze %dma_wait3A_265 : memref<1x50x32xf32, #tpu.memory_space<hbm>> -> memref<50x32xf32, #tpu.memory_space<hbm>>
    %dma_wait3A_267 = arith.constant 0 : i32
    %dma_wait3A_268 = arith.constant 0 : i32
    %dma_wait3A_269 = tpu.memref_slice %arg4[%add3A_161, %dma_wait3A_267, %dma_wait3A_268] : memref<16384x50x32xf32, #tpu.memory_space<hbm>> -> memref<1x50x32xf32, #tpu.memory_space<hbm>>
    %dma_wait3A_270 = tpu.memref_squeeze %dma_wait3A_269 : memref<1x50x32xf32, #tpu.memory_space<hbm>> -> memref<50x32xf32, #tpu.memory_space<hbm>>
    %dma_wait3A_271 = arith.constant 350 : i32
    %dma_wait3A_272 = arith.constant 0 : i32
    %dma_wait3A_273 = tpu.memref_slice %arg9[%dma_wait3A_271, %dma_wait3A_272] : memref<400x32xf32, #tpu.memory_space<vmem>> -> memref<50x32xf32, #tpu.memory_space<vmem>>
    tpu.wait_dma2 semaphore(%arg15 : memref<!tpu.dma_semaphore, #tpu.memory_space<semaphore_mem>>) src(%dma_wait3A_273 : memref<50x32xf32, #tpu.memory_space<vmem>>) dst(%dma_wait3A_270 : memref<50x32xf32, #tpu.memory_space<hbm>>)
    %add3A_274 = arith.constant 504 : i32
    %add3A_275 = arith.addi %mul3A_2, %add3A_274 : i32
    %add3A_276 = arith.constant 0 : i32
    %add3A_277 = arith.addi %add3A_275, %add3A_276 : i32
    %add3A_278 = arith.constant 1 : i32
    %add3A_279 = arith.addi %add3A_275, %add3A_278 : i32
    %add3A_280 = arith.constant 2 : i32
    %add3A_281 = arith.addi %add3A_275, %add3A_280 : i32
    %add3A_282 = arith.constant 3 : i32
    %add3A_283 = arith.addi %add3A_275, %add3A_282 : i32
    %add3A_284 = arith.constant 4 : i32
    %add3A_285 = arith.addi %add3A_275, %add3A_284 : i32
    %add3A_286 = arith.constant 5 : i32
    %add3A_287 = arith.addi %add3A_275, %add3A_286 : i32
    %add3A_288 = arith.constant 6 : i32
    %add3A_289 = arith.addi %add3A_275, %add3A_288 : i32
    %add3A_290 = arith.constant 7 : i32
    %add3A_291 = arith.addi %add3A_275, %add3A_290 : i32
    %dma_wait3A_292 = arith.constant 0 : i32
    %dma_wait3A_293 = arith.constant 0 : i32
    %dma_wait3A_294 = tpu.memref_slice %arg10[%dma_wait3A_292, %dma_wait3A_293] : memref<400x32xf32, #tpu.memory_space<vmem>> -> memref<50x32xf32, #tpu.memory_space<vmem>>
    %dma_wait3A_295 = arith.constant 0 : i32
    %dma_wait3A_296 = arith.constant 0 : i32
    %dma_wait3A_297 = tpu.memref_slice %arg4[%add3A_277, %dma_wait3A_295, %dma_wait3A_296] : memref<16384x50x32xf32, #tpu.memory_space<hbm>> -> memref<1x50x32xf32, #tpu.memory_space<hbm>>
    %dma_wait3A_298 = tpu.memref_squeeze %dma_wait3A_297 : memref<1x50x32xf32, #tpu.memory_space<hbm>> -> memref<50x32xf32, #tpu.memory_space<hbm>>
    %dma_wait3A_299 = arith.constant 0 : i32
    %dma_wait3A_300 = arith.constant 0 : i32
    %dma_wait3A_301 = tpu.memref_slice %arg4[%add3A_277, %dma_wait3A_299, %dma_wait3A_300] : memref<16384x50x32xf32, #tpu.memory_space<hbm>> -> memref<1x50x32xf32, #tpu.memory_space<hbm>>
    %dma_wait3A_302 = tpu.memref_squeeze %dma_wait3A_301 : memref<1x50x32xf32, #tpu.memory_space<hbm>> -> memref<50x32xf32, #tpu.memory_space<hbm>>
    %dma_wait3A_303 = arith.constant 0 : i32
    %dma_wait3A_304 = arith.constant 0 : i32
    %dma_wait3A_305 = tpu.memref_slice %arg10[%dma_wait3A_303, %dma_wait3A_304] : memref<400x32xf32, #tpu.memory_space<vmem>> -> memref<50x32xf32, #tpu.memory_space<vmem>>
    tpu.wait_dma2 semaphore(%arg16 : memref<!tpu.dma_semaphore, #tpu.memory_space<semaphore_mem>>) src(%dma_wait3A_305 : memref<50x32xf32, #tpu.memory_space<vmem>>) dst(%dma_wait3A_302 : memref<50x32xf32, #tpu.memory_space<hbm>>)
    %dma_wait3A_306 = arith.constant 50 : i32
    %dma_wait3A_307 = arith.constant 0 : i32
    %dma_wait3A_308 = tpu.memref_slice %arg10[%dma_wait3A_306, %dma_wait3A_307] : memref<400x32xf32, #tpu.memory_space<vmem>> -> memref<50x32xf32, #tpu.memory_space<vmem>>
    %dma_wait3A_309 = arith.constant 0 : i32
    %dma_wait3A_310 = arith.constant 0 : i32
    %dma_wait3A_311 = tpu.memref_slice %arg4[%add3A_279, %dma_wait3A_309, %dma_wait3A_310] : memref<16384x50x32xf32, #tpu.memory_space<hbm>> -> memref<1x50x32xf32, #tpu.memory_space<hbm>>
    %dma_wait3A_312 = tpu.memref_squeeze %dma_wait3A_311 : memref<1x50x32xf32, #tpu.memory_space<hbm>> -> memref<50x32xf32, #tpu.memory_space<hbm>>
    %dma_wait3A_313 = arith.constant 0 : i32
    %dma_wait3A_314 = arith.constant 0 : i32
    %dma_wait3A_315 = tpu.memref_slice %arg4[%add3A_279, %dma_wait3A_313, %dma_wait3A_314] : memref<16384x50x32xf32, #tpu.memory_space<hbm>> -> memref<1x50x32xf32, #tpu.memory_space<hbm>>
    %dma_wait3A_316 = tpu.memref_squeeze %dma_wait3A_315 : memref<1x50x32xf32, #tpu.memory_space<hbm>> -> memref<50x32xf32, #tpu.memory_space<hbm>>
    %dma_wait3A_317 = arith.constant 50 : i32
    %dma_wait3A_318 = arith.constant 0 : i32
    %dma_wait3A_319 = tpu.memref_slice %arg10[%dma_wait3A_317, %dma_wait3A_318] : memref<400x32xf32, #tpu.memory_space<vmem>> -> memref<50x32xf32, #tpu.memory_space<vmem>>
    tpu.wait_dma2 semaphore(%arg16 : memref<!tpu.dma_semaphore, #tpu.memory_space<semaphore_mem>>) src(%dma_wait3A_319 : memref<50x32xf32, #tpu.memory_space<vmem>>) dst(%dma_wait3A_316 : memref<50x32xf32, #tpu.memory_space<hbm>>)
    %dma_wait3A_320 = arith.constant 100 : i32
    %dma_wait3A_321 = arith.constant 0 : i32
    %dma_wait3A_322 = tpu.memref_slice %arg10[%dma_wait3A_320, %dma_wait3A_321] : memref<400x32xf32, #tpu.memory_space<vmem>> -> memref<50x32xf32, #tpu.memory_space<vmem>>
    %dma_wait3A_323 = arith.constant 0 : i32
    %dma_wait3A_324 = arith.constant 0 : i32
    %dma_wait3A_325 = tpu.memref_slice %arg4[%add3A_281, %dma_wait3A_323, %dma_wait3A_324] : memref<16384x50x32xf32, #tpu.memory_space<hbm>> -> memref<1x50x32xf32, #tpu.memory_space<hbm>>
    %dma_wait3A_326 = tpu.memref_squeeze %dma_wait3A_325 : memref<1x50x32xf32, #tpu.memory_space<hbm>> -> memref<50x32xf32, #tpu.memory_space<hbm>>
    %dma_wait3A_327 = arith.constant 0 : i32
    %dma_wait3A_328 = arith.constant 0 : i32
    %dma_wait3A_329 = tpu.memref_slice %arg4[%add3A_281, %dma_wait3A_327, %dma_wait3A_328] : memref<16384x50x32xf32, #tpu.memory_space<hbm>> -> memref<1x50x32xf32, #tpu.memory_space<hbm>>
    %dma_wait3A_330 = tpu.memref_squeeze %dma_wait3A_329 : memref<1x50x32xf32, #tpu.memory_space<hbm>> -> memref<50x32xf32, #tpu.memory_space<hbm>>
    %dma_wait3A_331 = arith.constant 100 : i32
    %dma_wait3A_332 = arith.constant 0 : i32
    %dma_wait3A_333 = tpu.memref_slice %arg10[%dma_wait3A_331, %dma_wait3A_332] : memref<400x32xf32, #tpu.memory_space<vmem>> -> memref<50x32xf32, #tpu.memory_space<vmem>>
    tpu.wait_dma2 semaphore(%arg16 : memref<!tpu.dma_semaphore, #tpu.memory_space<semaphore_mem>>) src(%dma_wait3A_333 : memref<50x32xf32, #tpu.memory_space<vmem>>) dst(%dma_wait3A_330 : memref<50x32xf32, #tpu.memory_space<hbm>>)
    %dma_wait3A_334 = arith.constant 150 : i32
    %dma_wait3A_335 = arith.constant 0 : i32
    %dma_wait3A_336 = tpu.memref_slice %arg10[%dma_wait3A_334, %dma_wait3A_335] : memref<400x32xf32, #tpu.memory_space<vmem>> -> memref<50x32xf32, #tpu.memory_space<vmem>>
    %dma_wait3A_337 = arith.constant 0 : i32
    %dma_wait3A_338 = arith.constant 0 : i32
    %dma_wait3A_339 = tpu.memref_slice %arg4[%add3A_283, %dma_wait3A_337, %dma_wait3A_338] : memref<16384x50x32xf32, #tpu.memory_space<hbm>> -> memref<1x50x32xf32, #tpu.memory_space<hbm>>
    %dma_wait3A_340 = tpu.memref_squeeze %dma_wait3A_339 : memref<1x50x32xf32, #tpu.memory_space<hbm>> -> memref<50x32xf32, #tpu.memory_space<hbm>>
    %dma_wait3A_341 = arith.constant 0 : i32
    %dma_wait3A_342 = arith.constant 0 : i32
    %dma_wait3A_343 = tpu.memref_slice %arg4[%add3A_283, %dma_wait3A_341, %dma_wait3A_342] : memref<16384x50x32xf32, #tpu.memory_space<hbm>> -> memref<1x50x32xf32, #tpu.memory_space<hbm>>
    %dma_wait3A_344 = tpu.memref_squeeze %dma_wait3A_343 : memref<1x50x32xf32, #tpu.memory_space<hbm>> -> memref<50x32xf32, #tpu.memory_space<hbm>>
    %dma_wait3A_345 = arith.constant 150 : i32
    %dma_wait3A_346 = arith.constant 0 : i32
    %dma_wait3A_347 = tpu.memref_slice %arg10[%dma_wait3A_345, %dma_wait3A_346] : memref<400x32xf32, #tpu.memory_space<vmem>> -> memref<50x32xf32, #tpu.memory_space<vmem>>
    tpu.wait_dma2 semaphore(%arg16 : memref<!tpu.dma_semaphore, #tpu.memory_space<semaphore_mem>>) src(%dma_wait3A_347 : memref<50x32xf32, #tpu.memory_space<vmem>>) dst(%dma_wait3A_344 : memref<50x32xf32, #tpu.memory_space<hbm>>)
    %dma_wait3A_348 = arith.constant 200 : i32
    %dma_wait3A_349 = arith.constant 0 : i32
    %dma_wait3A_350 = tpu.memref_slice %arg10[%dma_wait3A_348, %dma_wait3A_349] : memref<400x32xf32, #tpu.memory_space<vmem>> -> memref<50x32xf32, #tpu.memory_space<vmem>>
    %dma_wait3A_351 = arith.constant 0 : i32
    %dma_wait3A_352 = arith.constant 0 : i32
    %dma_wait3A_353 = tpu.memref_slice %arg4[%add3A_285, %dma_wait3A_351, %dma_wait3A_352] : memref<16384x50x32xf32, #tpu.memory_space<hbm>> -> memref<1x50x32xf32, #tpu.memory_space<hbm>>
    %dma_wait3A_354 = tpu.memref_squeeze %dma_wait3A_353 : memref<1x50x32xf32, #tpu.memory_space<hbm>> -> memref<50x32xf32, #tpu.memory_space<hbm>>
    %dma_wait3A_355 = arith.constant 0 : i32
    %dma_wait3A_356 = arith.constant 0 : i32
    %dma_wait3A_357 = tpu.memref_slice %arg4[%add3A_285, %dma_wait3A_355, %dma_wait3A_356] : memref<16384x50x32xf32, #tpu.memory_space<hbm>> -> memref<1x50x32xf32, #tpu.memory_space<hbm>>
    %dma_wait3A_358 = tpu.memref_squeeze %dma_wait3A_357 : memref<1x50x32xf32, #tpu.memory_space<hbm>> -> memref<50x32xf32, #tpu.memory_space<hbm>>
    %dma_wait3A_359 = arith.constant 200 : i32
    %dma_wait3A_360 = arith.constant 0 : i32
    %dma_wait3A_361 = tpu.memref_slice %arg10[%dma_wait3A_359, %dma_wait3A_360] : memref<400x32xf32, #tpu.memory_space<vmem>> -> memref<50x32xf32, #tpu.memory_space<vmem>>
    tpu.wait_dma2 semaphore(%arg16 : memref<!tpu.dma_semaphore, #tpu.memory_space<semaphore_mem>>) src(%dma_wait3A_361 : memref<50x32xf32, #tpu.memory_space<vmem>>) dst(%dma_wait3A_358 : memref<50x32xf32, #tpu.memory_space<hbm>>)
    %dma_wait3A_362 = arith.constant 250 : i32
    %dma_wait3A_363 = arith.constant 0 : i32
    %dma_wait3A_364 = tpu.memref_slice %arg10[%dma_wait3A_362, %dma_wait3A_363] : memref<400x32xf32, #tpu.memory_space<vmem>> -> memref<50x32xf32, #tpu.memory_space<vmem>>
    %dma_wait3A_365 = arith.constant 0 : i32
    %dma_wait3A_366 = arith.constant 0 : i32
    %dma_wait3A_367 = tpu.memref_slice %arg4[%add3A_287, %dma_wait3A_365, %dma_wait3A_366] : memref<16384x50x32xf32, #tpu.memory_space<hbm>> -> memref<1x50x32xf32, #tpu.memory_space<hbm>>
    %dma_wait3A_368 = tpu.memref_squeeze %dma_wait3A_367 : memref<1x50x32xf32, #tpu.memory_space<hbm>> -> memref<50x32xf32, #tpu.memory_space<hbm>>
    %dma_wait3A_369 = arith.constant 0 : i32
    %dma_wait3A_370 = arith.constant 0 : i32
    %dma_wait3A_371 = tpu.memref_slice %arg4[%add3A_287, %dma_wait3A_369, %dma_wait3A_370] : memref<16384x50x32xf32, #tpu.memory_space<hbm>> -> memref<1x50x32xf32, #tpu.memory_space<hbm>>
    %dma_wait3A_372 = tpu.memref_squeeze %dma_wait3A_371 : memref<1x50x32xf32, #tpu.memory_space<hbm>> -> memref<50x32xf32, #tpu.memory_space<hbm>>
    %dma_wait3A_373 = arith.constant 250 : i32
    %dma_wait3A_374 = arith.constant 0 : i32
    %dma_wait3A_375 = tpu.memref_slice %arg10[%dma_wait3A_373, %dma_wait3A_374] : memref<400x32xf32, #tpu.memory_space<vmem>> -> memref<50x32xf32, #tpu.memory_space<vmem>>
    tpu.wait_dma2 semaphore(%arg16 : memref<!tpu.dma_semaphore, #tpu.memory_space<semaphore_mem>>) src(%dma_wait3A_375 : memref<50x32xf32, #tpu.memory_space<vmem>>) dst(%dma_wait3A_372 : memref<50x32xf32, #tpu.memory_space<hbm>>)
    %dma_wait3A_376 = arith.constant 300 : i32
    %dma_wait3A_377 = arith.constant 0 : i32
    %dma_wait3A_378 = tpu.memref_slice %arg10[%dma_wait3A_376, %dma_wait3A_377] : memref<400x32xf32, #tpu.memory_space<vmem>> -> memref<50x32xf32, #tpu.memory_space<vmem>>
    %dma_wait3A_379 = arith.constant 0 : i32
    %dma_wait3A_380 = arith.constant 0 : i32
    %dma_wait3A_381 = tpu.memref_slice %arg4[%add3A_289, %dma_wait3A_379, %dma_wait3A_380] : memref<16384x50x32xf32, #tpu.memory_space<hbm>> -> memref<1x50x32xf32, #tpu.memory_space<hbm>>
    %dma_wait3A_382 = tpu.memref_squeeze %dma_wait3A_381 : memref<1x50x32xf32, #tpu.memory_space<hbm>> -> memref<50x32xf32, #tpu.memory_space<hbm>>
    %dma_wait3A_383 = arith.constant 0 : i32
    %dma_wait3A_384 = arith.constant 0 : i32
    %dma_wait3A_385 = tpu.memref_slice %arg4[%add3A_289, %dma_wait3A_383, %dma_wait3A_384] : memref<16384x50x32xf32, #tpu.memory_space<hbm>> -> memref<1x50x32xf32, #tpu.memory_space<hbm>>
    %dma_wait3A_386 = tpu.memref_squeeze %dma_wait3A_385 : memref<1x50x32xf32, #tpu.memory_space<hbm>> -> memref<50x32xf32, #tpu.memory_space<hbm>>
    %dma_wait3A_387 = arith.constant 300 : i32
    %dma_wait3A_388 = arith.constant 0 : i32
    %dma_wait3A_389 = tpu.memref_slice %arg10[%dma_wait3A_387, %dma_wait3A_388] : memref<400x32xf32, #tpu.memory_space<vmem>> -> memref<50x32xf32, #tpu.memory_space<vmem>>
    tpu.wait_dma2 semaphore(%arg16 : memref<!tpu.dma_semaphore, #tpu.memory_space<semaphore_mem>>) src(%dma_wait3A_389 : memref<50x32xf32, #tpu.memory_space<vmem>>) dst(%dma_wait3A_386 : memref<50x32xf32, #tpu.memory_space<hbm>>)
    %dma_wait3A_390 = arith.constant 350 : i32
    %dma_wait3A_391 = arith.constant 0 : i32
    %dma_wait3A_392 = tpu.memref_slice %arg10[%dma_wait3A_390, %dma_wait3A_391] : memref<400x32xf32, #tpu.memory_space<vmem>> -> memref<50x32xf32, #tpu.memory_space<vmem>>
    %dma_wait3A_393 = arith.constant 0 : i32
    %dma_wait3A_394 = arith.constant 0 : i32
    %dma_wait3A_395 = tpu.memref_slice %arg4[%add3A_291, %dma_wait3A_393, %dma_wait3A_394] : memref<16384x50x32xf32, #tpu.memory_space<hbm>> -> memref<1x50x32xf32, #tpu.memory_space<hbm>>
    %dma_wait3A_396 = tpu.memref_squeeze %dma_wait3A_395 : memref<1x50x32xf32, #tpu.memory_space<hbm>> -> memref<50x32xf32, #tpu.memory_space<hbm>>
    %dma_wait3A_397 = arith.constant 0 : i32
    %dma_wait3A_398 = arith.constant 0 : i32
    %dma_wait3A_399 = tpu.memref_slice %arg4[%add3A_291, %dma_wait3A_397, %dma_wait3A_398] : memref<16384x50x32xf32, #tpu.memory_space<hbm>> -> memref<1x50x32xf32, #tpu.memory_space<hbm>>
    %dma_wait3A_400 = tpu.memref_squeeze %dma_wait3A_399 : memref<1x50x32xf32, #tpu.memory_space<hbm>> -> memref<50x32xf32, #tpu.memory_space<hbm>>
    %dma_wait3A_401 = arith.constant 350 : i32
    %dma_wait3A_402 = arith.constant 0 : i32
    %dma_wait3A_403 = tpu.memref_slice %arg10[%dma_wait3A_401, %dma_wait3A_402] : memref<400x32xf32, #tpu.memory_space<vmem>> -> memref<50x32xf32, #tpu.memory_space<vmem>>
    tpu.wait_dma2 semaphore(%arg16 : memref<!tpu.dma_semaphore, #tpu.memory_space<semaphore_mem>>) src(%dma_wait3A_403 : memref<50x32xf32, #tpu.memory_space<vmem>>) dst(%dma_wait3A_400 : memref<50x32xf32, #tpu.memory_space<hbm>>)
    return
  }
}

</mosaic_0001>

<sc_bundles>
// kernel: kernel.3.cloned.1.call-start
scs
__scs_entry_jumppad:
0x0: {  	(pc) =	sbr.rel $0x88, $3  }
0x1: {  	(tag) =	ssettag $0x0;
	lr =	simm.s32 $0x1  }
0x2: {  	[smem:$0x3F9F] =	sst lr;
	_ =	strace $0xD0000000  }
0x3: {  	_ = 	snop  }
0x4: {  	_ = 	snop  }
0x5: {  	_ = 	snop  }
0x6: {  	_ = 	snop  }
0x7: {  	_ = 	snop  }
__scs_overlays_trampoline_lowered:
0x8: {  	[smem:$0x3FAE] =	sst s0  }
0x9: {  	[smem:$0x3FAF] =	sst s1  }
0xa: {  	[smem:$0x3FB0] =	sst s2  }
0xb: {  	[smem:$0x3FB1] =	sst s3  }
0xc: {  	[smem:$0x3FB2] =	sst s4  }
0xd: {  	[smem:$0x3FB3] =	sst s5  }
0xe: {  	[smem:$0x3FB4] =	sst s6  }
0xf: {  	[smem:$0x3FB5] =	sst s7  }
0x10: {  	[smem:$0x3FB6] =	sst s8  }
0x11: {  	[smem:$0x3FB7] =	sst s9;
	s0 =	simm.s32 @!p0 $0x0  }
0x12: {  	s1 =	sld [smem:$0x3F9D];
	s0 =	simm.s32 @p0 $0x1  }
0x13: {  	[smem:$0x3FB8] =	sst s0;
	s0 =	simm.s32 @!p1 $0x0  }
0x14: {  	s2 =	sld [smem:$0x3F9C];
	s0 =	simm.s32 @p1 $0x1  }
0x15: {  	[smem:$0x3FB9] =	sst s0;
	s0 =	simm.s32 @!p2 $0x0  }
0x16: {  	s3 =	sld [smem:$0x3FDB];
	s0 =	simm.s32 @p2 $0x1  }
0x17: {  	s4 =	simm.s32 $0x1BF5;
	[smem:$0x3FBB] =	sst s0  }
0x18: {  	s0 =	sld [smem:$0x3F9E];
	_ =	swait.ge [sflag:s4], $0x0  }
0x19: {  	s7 =	sld [smem:$0x3F9F]  }
0x1a: {  	s8 =	sadd.s32 $0xFFFFE003, lr  }
0x1b: {  	s9 =	sadd.s32 $0xFFFFFEF7, lr;
	s5 =	simm.s32 $0xFFFFFFFF;
	p2 =	slt.u32 s8, $0xFFFFF086  }
0x1c: {  	p1 =	slt.u32 s9, $0xF7A;
	s5 =	simm.s32 @!p2 $0x0  }
0x1d: {  	s5 =	simm.s32 @p1 $0x1;
	p0 =	seq.s32 s7, s2  }
0x1e: {  	s7 =	smul.u32 @!p0 $0xF7A, s2;
	p2 =	seq.s32 @!p0 s5, $0x0  }
0x1f: {  	s9 =	smul.u32 $0xF7A, s1;
	s8 =	simm.s32 @!p0 $0x1BF5;
	p2 =	por !p2, p0  }
0x20: {  	[sflag:s8] =	ssyncset.s32 @!p0 $0xFFFFF086;
	s6 =	sadd.s32 @!p0 s3, s7;
	s7 =	simm.s32 @!p0 $0x108  }
0x21: {  	s3 =	sadd.s32 s3, s9;
	s6 =	sadd.s32 @!p0 $0x88, s6;
	s7 =	simm.s32 @p2 $0x1082  }
0x22: {  	[simem:s7], [sflag:s8] =	dma.local @!p0 [hbm:s6], $0xF7A  }
0x23: {  	s9 =	sor.u32 $0xD0000000, s2;
	s6 =	simm.s32 $0x108;
	_ =	swait.ge @!p0 [sflag:s8], $0x0  }
0x24: {  	s3 =	sadd.s32 $0x88, s3;
	s6 =	simm.s32 @!p1 $0x1082;
	[sflag:s4] =	ssyncset.s32 $0xFFFFF086  }
0x25: {  	[simem:s6], [sflag:s4] =	dma.local [hbm:s3], $0xF7A  }
0x26: {  	[smem:$0x3F9F] =	sst s1;
	(tag) =	ssettag s2;
	_ =	strace s9  }
0x27: {  	s1 =	sld [smem:$0x3FAF]  }
0x28: {  	s2 =	sld [smem:$0x3FB0]  }
0x29: {  	s4 =	sld [smem:$0x3FB2]  }
0x2a: {  	p0 =	seq.s32 s5, $0x0;
	s5 =	sld [smem:$0x3FB3]  }
0x2b: {  	s6 =	sld [smem:$0x3FB4]  }
0x2c: {  	s7 =	sld [smem:$0x3FB5]  }
0x2d: {  	s3 =	simm.s32 $0x108;
	s8 =	sld [smem:$0x3FB6]  }
0x2e: {  	s3 =	simm.s32 @!p0 $0x1082;
	s9 =	sld [smem:$0x3FB7]  }
0x2f: {  	lr =	sadd.s32 s0, s3;
	s0 =	sld [smem:$0x3FAE]  }
0x30: {  	s3 =	sld [smem:$0x3FB1]  }
0x31: {  	[smem:$0x3FBA] =	sst s10  }
0x32: {  	s10 =	sld [smem:$0x3FB8];
	_ =	sdelay $0x3  }
0x33: {  	p0 =	seq.s32 s10, $0x1;
	s10 =	sld [smem:$0x3FBA];
	_ =	sdelay $0x3  }
0x34: {  	[smem:$0x3FBA] =	sst s10  }
0x35: {  	s10 =	sld [smem:$0x3FB9];
	_ =	sdelay $0x3  }
0x36: {  	p1 =	seq.s32 s10, $0x1;
	s10 =	sld [smem:$0x3FBA];
	_ =	sdelay $0x3  }
0x37: {  	[smem:$0x3FBA] =	sst s10  }
0x38: {  	s10 =	sld [smem:$0x3FBB]  }
0x39: {  	_ = 	snop;
	(pc) =	sbr.ind lr, $3  }
0x3a: {  	_ = 	snop  }
0x3b: {  	_ = 	snop  }
0x3c: {  	p2 =	seq.s32 s10, $0x1;
	s10 =	sld [smem:$0x3FBA]  }
0x3d: {  	_ =	shalt  }
0x3e: {  	_ =	shalt  }
0x3f: {  	_ =	shalt  }
0x40: {  	_ =	shalt  }
0x41: {  	_ =	shalt  }
0x42: {  	_ =	shalt  }
0x43: {  	_ =	shalt  }
0x44: {  	_ =	shalt  }
0x45: {  	_ =	shalt  }
0x46: {  	_ =	shalt  }
0x47: {  	_ =	shalt  }
0x48: {  	_ =	shalt  }
0x49: {  	_ =	shalt  }
0x4a: {  	_ =	shalt  }
0x4b: {  	_ =	shalt  }
0x4c: {  	_ =	shalt  }
0x4d: {  	_ =	shalt  }
0x4e: {  	_ =	shalt  }
0x4f: {  	_ =	shalt  }
0x50: {  	_ =	shalt  }
0x51: {  	_ =	shalt  }
0x52: {  	_ =	shalt  }
0x53: {  	_ =	shalt  }
0x54: {  	_ =	shalt  }
0x55: {  	_ =	shalt  }
0x56: {  	_ =	shalt  }
0x57: {  	_ =	shalt  }
0x58: {  	_ =	shalt  }
0x59: {  	_ =	shalt  }
0x5a: {  	_ =	shalt  }
0x5b: {  	_ =	shalt  }
0x5c: {  	_ =	shalt  }
0x5d: {  	_ =	shalt  }
0x5e: {  	_ =	shalt  }
0x5f: {  	_ =	shalt  }
0x60: {  	_ =	shalt  }
0x61: {  	_ =	shalt  }
0x62: {  	_ =	shalt  }
0x63: {  	_ =	shalt  }
0x64: {  	_ =	shalt  }
0x65: {  	_ =	shalt  }
0x66: {  	_ =	shalt  }
0x67: {  	_ =	shalt  }
0x68: {  	_ =	shalt  }
0x69: {  	_ =	shalt  }
0x6a: {  	_ =	shalt  }
0x6b: {  	_ =	shalt  }
0x6c: {  	_ =	shalt  }
0x6d: {  	_ =	shalt  }
0x6e: {  	_ =	shalt  }
0x6f: {  	_ =	shalt  }
0x70: {  	_ =	shalt  }
0x71: {  	_ =	shalt  }
0x72: {  	_ =	shalt  }
0x73: {  	_ =	shalt  }
0x74: {  	_ =	shalt  }
0x75: {  	_ =	shalt  }
0x76: {  	_ =	shalt  }
0x77: {  	_ =	shalt  }
0x78: {  	_ =	shalt  }
0x79: {  	_ =	shalt  }
0x7a: {  	_ =	shalt  }
0x7b: {  	_ =	shalt  }
0x7c: {  	_ =	shalt  }
0x7d: {  	_ =	shalt  }
0x7e: {  	_ =	shalt  }
0x7f: {  	_ =	shalt  }
0x80: {  	_ =	shalt  }
0x81: {  	_ =	shalt  }
0x82: {  	_ =	shalt  }
0x83: {  	_ =	shalt  }
0x84: {  	_ =	shalt  }
0x85: {  	_ =	shalt  }
0x86: {  	_ =	shalt  }
0x87: {  	_ =	shalt  }
.Lfunc_end0:
.L_simem_size_0:
called_computation.1_lowered:
.L_overlay_start_0:
0x88: {  	s2 =	sld [smem:$0x3FD9]  }
0x89: {  	s3 =	sld [smem:$0x3FFE];
	_ =	sdelay $0x1  }
0x8a: {  	s1 =	srdreg.scid  }
0x8b: {  	s0 =	sand.u32 $0x1, s1  }
0x8c: {  	s17 =	sshll.u32 s0, $0xA;
	s2 =	sadd.s32 s3, s2  }
0x8d: {  	s2 =	sadd.s32 s2, s17  }
0x8e: {  	[smem:$0x3FC6] =	sst s2  }
0x8f: {  	_ = 	snop  }
0x90: {  	s2 =	sld [smem:$0x3FD0];
	(tm) =	ssettm $0x1  }
0x91: {  	s18 =	sld [smem:$0x3FFB];
	_ =	sdelay $0x3  }
0x92: {  	_ =	strace s18  }
0x93: {  	s3 =	sld [smem:$0x3FFC];
	_ =	sdelay $0x3  }
0x94: {  	_ =	strace s3  }
0x95: {  	s3 =	sld [smem:$0x3FFD];
	_ =	sdelay $0x3  }
0x96: {  	_ =	strace s3  }
0x97: {  	_ =	strace $0x8FFFFFFF  }
0x98: {  	s19 =	sld [smem:$0x3FDB];
	_ =	sdelay $0x1  }
0x99: {  	s4 =	simm.s32 $_scs_section_size  }
0x9a: {  	s5 =	simm.s32 $_size__tile_overlayer_lowered;
	s6 =	simm.s32 $_tile_overlayer_lowered  }
0x9b: {  	s22 =	simm.s32 $0x1BFF;
	s21 =	sshll.u32 s6, $0x1;
	s3 =	sadd.s32 s4, s19  }
0x9c: {  	s7 =	simm.s32 $0x0;
	s20 =	sshll.u32 s5, $0x1;
	s5 =	sadd.s32 s21, s3  }
0x9d: {  	[timem:s7], [sflag:s22] =	dma.local [hbm:s5], s20  }
0x9e: {  	_ =	swait.ge [sflag:s22], s20  }
0x9f: {  	s4 =	ssub.s32 $0x0, s20;
	[sflag:s22] =	ssyncset.done $0x0  }
0xa0: {  	[sflag:s22] =	ssyncadd.s32 s4;
	_ =	sdelay $0x1  }
0xa1: {  	s23 =	simm.s32 $0x1B8B  }
0xa2: {  	_ =	swait.ge [sflag:s23], $0x1  }
0xa3: {  	[sflag:s23] =	ssyncset.done $0x0  }
0xa4: {  	s25 =	simm.s32 $0x1B8E;
	s24 =	sld [smem:$0x3FFE];
	[sflag:s23] =	ssyncadd.s32 $0xFFFFFFFF  }
0xa5: {  	s26 =	simm.s32 $execute0_lowered;
	[smem:$0x3FD2] =	sst s25  }
0xa6: {  	s5 =	sshll.u32 s26, $0x1;
	_ =	strace $0x80000046;
	[dreg:$0x1] =	wrdreg $0xFFFFFFFF  }
0xa7: {  	s28 =	simm.s32 $_size_execute0_lowered;
	s3 =	sadd.s32 s3, s5;
	[dreg:$0x0] =	wrdreg $0x0  }
0xa8: {  	s5 =	sshll.u32 s28, $0x1;
	[dreg:$0x2] =	wrdreg s3  }
0xa9: {  	[dreg:$0x3] =	wrdreg s5  }
0xaa: {  	[dreg:$0x4] =	wrdreg $0xC0  }
0xab: {  	_ =	task [dreg:s7], $0x5FFFF  }
0xac: {  	[dreg:$0x1] =	wrdreg $0xFFFFFFFF  }
0xad: {  	[dreg:$0x0] =	wrdreg $0x60  }
0xae: {  	[dreg:$0x2] =	wrdreg s24  }
0xaf: {  	[dreg:$0x3] =	wrdreg s2  }
0xb0: {  	[dreg:$0x4] =	wrdreg $0x9  }
0xb1: {  	_ =	task.clear_ibuf [dreg:s7], $0x5FFFF;
	_ =	strace $0x90000046  }
0xb2: {  	s29 =	simm.s32 $0x9;
	_ =	strace $0x80000048  }
0xb3: {  	_ =	swait.ge [sflag:s29], $0x1  }
0xb4: {  	[sflag:s29] =	ssyncadd.s32 $0xFFFFFFFF  }
0xb5: {  	_ =	strace $0x90000048  }
0xb6: {  	_ =	sfence  }
0xb7: {  	s30 =	sld [smem:$0x0];
	_ =	sdelay $0x2  }
0xb8: {  	s31 =	sshll.u32 s1, $0xD;
	s1 =	sshrl.u32 s1, $0x2  }
0xb9: {  	s3 =	sand.u32 $0x4000, s31;
	s1 =	sadd.s32 s1, s30  }
0xba: {  	s0 =	sor.u32 s3, s0;
	s1 =	sshll.u32 s1, $0x11  }
0xbb: {  	s0 =	sor.u32 s1, s0  }
0xbc: {  	s0 =	sadd.s32 $0x8F2B, s0  }
0xbd: {  	[sflag:s0] =	ssyncadd.remote.s32 $0x1  }
0xbe: {  	_ =	sfence.sel $0xFFFF  }
0xbf: {  	[dreg:$0x0] =	wrdreg $0xFFFFFFFF;
	(pc) =	sbr.abs _section_cstart, $3  }
0xc0: {  	[dreg:$0x1] =	wrdreg $0xFFFFFFFF  }
0xc1: {  	_ =	task.clear_ibuf [dreg:s7], $0x2FFFF;
	_ =	strace $0x9FFFFFFF  }
0xc2: {  	(tm) =	ssettm $0x7FFFFFFF  }
0xc3: {  	_ =	shalt  }
tec
execute0_lowered:
.L_overlay_start_1:
0x0: {  	(tag) =	ssettag $0x1  }
0x1: {  	s0 =	srdreg.scid  }
0x2: {  	s1 =	rddreg [dreg:$0x0];
	s10 =	stileid.u32  }
0x3: {  	s2 =	rddreg [dreg:$0x1];
	s29 =	smul.u32 $0x1C00, s10  }
0x4: {  	s3 =	simm.s32 $0x0;
	s28 =	simm.s32 $0x190;
	s11 =	smul.u32 $0x190000, s10  }
0x5: {  	s30 =	simm.s32 $0x6A0;
	s0 =	sand.u32 $0x1, s0;
	s17 =	smul.u32 $0x32000, s10  }
0x6: {  	s4 =	sshll.u32 s10, $0xA;
	[smem:$0x7FF] =	sst s3;
	s14 =	smul.u32 $0xC8000, s0  }
0x7: {  	s10 =	simm.s32 $0x1320;
	s5 =	sshll.u32 s0, $0x9;
	s16 =	smul.u32 $0xE00, s0  }
0x8: {  	_ =	strace $0x80000047;
	s7 =	ssub.s32 $0x2, s0;
	s0 =	smul.u32 $0x19000, s0  }
0x9: {  	s5 =	sor.u32 s5, s4;
	s4 =	sadd.s32 $0xF42E00, s1;
	s8 =	sshrl.u32 s7, $0x1  }
0xa: {  	s1 =	sadd.s32 $0xA00, s1;
	s6 =	smul.u32 $0x640, s5;
	s22 =	ssub.s32 s7, s8  }
0xb: {  	s5 =	smul.u32 $0x7, s5;
	s18 =	sadd.s32 s14, s11;
	s15 =	smax.u32 s22, $0x1  }
0xc: {  	s7 =	simm.s32 $0x38A0;
	s22 =	sadd.s32 $0xFFFFED40, s18;
	[dreg:$0xd] =	wrdreg s15  }
0xd: {  	s6 =	sshrl.u32 s6, $0x3;
	s9 =	sadd.s32 s1, s5;
	[dreg:$0xf] =	wrdreg s22  }
0xe: {  	s21 =	sadd.s32 s2, s6;
	[dreg:$0x3] =	wrdreg s9;
	s23 =	sadd.s32 $0x38, s9  }
0xf: {  	s8 =	simm.s32 $0x3;
	[dreg:$0x4] =	wrdreg s23;
	s24 =	sadd.s32 $0x189C0, s21  }
0x10: {  	s11 =	simm.s32 $0x1960;
	s25 =	sadd.s32 $0x18A88, s21;
	[dreg:$0x5] =	wrdreg s24  }
0x11: {  	s14 =	simm.s32 $0x3260;
	s26 =	sadd.s32 $0x18B50, s21;
	[dreg:$0x6] =	wrdreg s25  }
0x12: {  	s20 =	sor.u32 $0x2BC0, s18;
	s31 =	sadd.s32 $0x18C18, s21;
	[dreg:$0x7] =	wrdreg s26  }
0x13: {  	s1 =	sadd.s32 s29, s1;
	s9 =	sadd.s32 $0x18CE0, s21;
	[dreg:$0x8] =	wrdreg s31  }
0x14: {  	s29 =	sor.u32 $0xC80, s18;
	s12 =	sadd.s32 $0x18DA8, s21;
	[dreg:$0x9] =	wrdreg s9  }
0x15: {  	s15 =	simm.s32 $0x4;
	s13 =	sadd.s32 $0x18E70, s21;
	[dreg:$0xa] =	wrdreg s12  }
0x16: {  	s1 =	sadd.s32 s16, s1;
	s5 =	sadd.s32 $0x18F38, s21;
	[dreg:$0xb] =	wrdreg s13  }
0x17: {  	s6 =	simm.s32 $0x6;
	s1 =	sadd.s32 $0x70, s1;
	[dreg:$0xc] =	wrdreg s5  }
0x18: {  	s21 =	sadd.s32 s17, s2;
	s23 =	sor.u32 $0x2580, s18;
	[dreg:$0xe] =	wrdreg s1  }
0x19: {  	s5 =	sshrl.u32 s20, $0x3;
	s17 =	sadd.s32 s0, s21;
	s24 =	sor.u32 $0x1F40, s18  }
0x1a: {  	s25 =	sor.u32 $0x1900, s18;
	s0 =	sshrl.u32 s23, $0x3;
	s26 =	sor.u32 $0x12C0, s18  }
0x1b: {  	s31 =	sor.u32 $0x640, s18;
	s12 =	simm.s32 $0x1FA0;
	s13 =	simm.s32 $0x25E0  }
0x1c: {  	s18 =	simm.s32 $0x5;
	s9 =	simm.s32 $0x0;
	s19 =	sadd.s32 s5, s2  }
.Ltmp0:
0x1d: {  	s1 =	sshrl.u32 s24, $0x3;
	s5 =	sshrl.u32 s25, $0x3;
	(pc) =	sbr.rel .LBB2_1-.Ltmp0, $4  }
0x1e: {  	s20 =	sadd.s32 s0, s2;
	s0 =	sshrl.u32 s26, $0x3;
	s26 =	simm.s32 $0x1  }
0x1f: {  	s21 =	sadd.s32 s1, s2;
	s22 =	sadd.s32 s5, s2;
	s1 =	sshrl.u32 s29, $0x3  }
0x20: {  	s5 =	sshrl.u32 s31, $0x3;
	s23 =	sadd.s32 s0, s2;
	s24 =	sadd.s32 s1, s2  }
0x21: {  	s25 =	sadd.s32 s5, s2;
	s1 =	simm.s32 $0x2;
	s5 =	simm.s32 $0x2C20  }
.LBB2_10:
0x22: {  	_ =	swait.ge [sflag:s15], $0x3200  }
0x23: {  	[sflag:s15] =	ssyncset.done $0x0  }
0x24: {  	s0 =	rddreg [dreg:$0x5];
	[sflag:s15] =	ssyncadd.s32 $0xFFFFCE00  }
0x25: {  	[hbm4b:s0+s3] =	stream.linear.scatter [tilespmem:s7], [sflag:$0x6], $0x640, $0x38;
	[tilespmem:$0x6AA0] =	vst v63  }
0x26: {  	s9 =	simm.s32 $0x3EE0;
	s16 =	rddreg [dreg:$0x6]  }
0x27: {  	[hbm4b:s16+s3] =	stream.linear.scatter [tilespmem:s9], [sflag:$0x6], $0x640, $0x38;
	[tilespmem:$0x6AA0] =	vst v63  }
0x28: {  	s31 =	simm.s32 $0x4520;
	s29 =	rddreg [dreg:$0x7]  }
0x29: {  	[hbm4b:s29+s3] =	stream.linear.scatter [tilespmem:s31], [sflag:$0x6], $0x640, $0x38;
	[tilespmem:$0x6AA0] =	vst v63  }
0x2a: {  	s9 =	rddreg [dreg:$0x8];
	s16 =	simm.s32 $0x4B60  }
0x2b: {  	[hbm4b:s9+s3] =	stream.linear.scatter [tilespmem:s16], [sflag:$0x6], $0x640, $0x38;
	[tilespmem:$0x6AA0] =	vst v63  }
0x2c: {  	s29 =	rddreg [dreg:$0x9];
	s31 =	simm.s32 $0x51A0  }
0x2d: {  	[hbm4b:s29+s3] =	stream.linear.scatter [tilespmem:s31], [sflag:$0x6], $0x640, $0x38;
	[tilespmem:$0x6AA0] =	vst v63  }
0x2e: {  	s9 =	rddreg [dreg:$0xa];
	s16 =	simm.s32 $0x57E0  }
0x2f: {  	[hbm4b:s9+s3] =	stream.linear.scatter [tilespmem:s16], [sflag:$0x6], $0x640, $0x38;
	[tilespmem:$0x6AA0] =	vst v63  }
0x30: {  	s29 =	rddreg [dreg:$0xb];
	s31 =	simm.s32 $0x5E20  }
0x31: {  	[hbm4b:s29+s3] =	stream.linear.scatter [tilespmem:s31], [sflag:$0x6], $0x640, $0x38;
	[tilespmem:$0x6AA0] =	vst v63  }
0x32: {  	s9 =	rddreg [dreg:$0xc];
	s16 =	simm.s32 $0x6460  }
0x33: {  	[hbm4b:s9+s3] =	stream.linear.scatter [tilespmem:s16], [sflag:$0x6], $0x640, $0x38;
	[tilespmem:$0x6AA0] =	vst v63  }
0x34: {  	_ =	swait.ge [sflag:s18], $0x640  }
0x35: {  	[sflag:s18] =	ssyncset.done $0x0  }
0x36: {  	[sflag:s18] =	ssyncadd.s32 $0xFFFFF9C0  }
0x37: {  	_ =	swait.ge [sflag:s18], $0x640  }
0x38: {  	[sflag:s18] =	ssyncset.done $0x0  }
0x39: {  	[sflag:s18] =	ssyncadd.s32 $0xFFFFF9C0  }
0x3a: {  	_ =	swait.ge [sflag:s18], $0x640  }
0x3b: {  	[sflag:s18] =	ssyncset.done $0x0  }
0x3c: {  	[sflag:s18] =	ssyncadd.s32 $0xFFFFF9C0  }
0x3d: {  	_ =	swait.ge [sflag:s18], $0x640  }
0x3e: {  	[sflag:s18] =	ssyncset.done $0x0  }
0x3f: {  	[sflag:s18] =	ssyncadd.s32 $0xFFFFF9C0  }
0x40: {  	_ =	swait.ge [sflag:s18], $0x640  }
0x41: {  	[sflag:s18] =	ssyncset.done $0x0  }
0x42: {  	[sflag:s18] =	ssyncadd.s32 $0xFFFFF9C0  }
0x43: {  	_ =	swait.ge [sflag:s18], $0x640  }
0x44: {  	[sflag:s18] =	ssyncset.done $0x0  }
0x45: {  	[sflag:s18] =	ssyncadd.s32 $0xFFFFF9C0  }
0x46: {  	_ =	swait.ge [sflag:s18], $0x640  }
0x47: {  	[sflag:s18] =	ssyncset.done $0x0  }
0x48: {  	[sflag:s18] =	ssyncadd.s32 $0xFFFFF9C0  }
0x49: {  	_ =	swait.ge [sflag:s18], $0x640  }
0x4a: {  	[sflag:s18] =	ssyncset.done $0x0  }
0x4b: {  	[sflag:s18] =	ssyncadd.s32 $0xFFFFF9C0  }
0x4c: {  	_ =	swait.ge [sflag:s6], $0x640  }
0x4d: {  	[sflag:s6] =	ssyncset.done $0x0  }
0x4e: {  	[sflag:s6] =	ssyncadd.s32 $0xFFFFF9C0  }
0x4f: {  	_ =	swait.ge [sflag:s6], $0x640  }
0x50: {  	[sflag:s6] =	ssyncset.done $0x0  }
0x51: {  	[sflag:s6] =	ssyncadd.s32 $0xFFFFF9C0  }
0x52: {  	_ =	swait.ge [sflag:s6], $0x640  }
0x53: {  	[sflag:s6] =	ssyncset.done $0x0  }
0x54: {  	[sflag:s6] =	ssyncadd.s32 $0xFFFFF9C0  }
0x55: {  	_ =	swait.ge [sflag:s6], $0x640  }
0x56: {  	[sflag:s6] =	ssyncset.done $0x0  }
0x57: {  	[sflag:s6] =	ssyncadd.s32 $0xFFFFF9C0  }
0x58: {  	_ =	swait.ge [sflag:s6], $0x640  }
0x59: {  	[sflag:s6] =	ssyncset.done $0x0  }
0x5a: {  	[sflag:s6] =	ssyncadd.s32 $0xFFFFF9C0  }
0x5b: {  	_ =	swait.ge [sflag:s6], $0x640  }
0x5c: {  	[sflag:s6] =	ssyncset.done $0x0  }
0x5d: {  	[sflag:s6] =	ssyncadd.s32 $0xFFFFF9C0  }
0x5e: {  	_ =	swait.ge [sflag:s6], $0x640  }
0x5f: {  	[sflag:s6] =	ssyncset.done $0x0  }
0x60: {  	[sflag:s6] =	ssyncadd.s32 $0xFFFFF9C0  }
0x61: {  	_ =	swait.ge [sflag:s6], $0x640  }
0x62: {  	s29 =	rddreg [dreg:$0x10]  }
0x63: {  	s31 =	rddreg [dreg:$0xd];
	s9 =	sadd.s32 $0x1, s29  }
0x64: {  	p0 =	sne.s32 s9, s31  }
.Ltmp1:
0x65: {  	_ = 	snop;
	(pc) =	sbr.rel @!p0 .LBB2_11-.Ltmp1, $3  }
0x66: {  	_ =	sdelay $0x1  }
0x67: {  	[sflag:s6] =	ssyncset.done $0x0  }
0x68: {  	[sflag:s6] =	ssyncadd.s32 $0xFFFFF9C0  }
.LBB2_1:
.Ltmp2:
0x69: {  	[dreg:$0x10] =	wrdreg s9;
	(pc) =	sbr.rel .LBB2_2-.Ltmp2, $4  }
0x6a: {  	s0 =	rddreg [dreg:$0x3]  }
0x6b: {  	s16 =	rddreg [dreg:$0xf]  }
0x6c: {  	s29 =	rddreg [dreg:$0xe];
	s31 =	simm.s32 $0x0  }
0x6d: {  	[tilespmem:s3], [sflag:$0x1] =	stream.linear.gather [hbm4b:s0+s3], $0x1C0, $0x38;
	[tilespmem:$0x6AA0] =	vst v63  }
.LBB2_6:
0x6e: {  	s0 =	simm.s32 $0x510  }
0x6f: {  	[tilespmem:s7], [sflag:$0x4] =	stream.indirect.gather [hbm4b:s4+s28], $0x20, s0, s28, $0xb8;
	[tilespmem:$0x6AA0] =	vst v63  }
.LBB2_8:
0x70: {  	[tilespmem:s3], [sflag:$0x1] =	stream.linear.gather [hbm4b:s29+s3], $0x1C0, $0x38;
	[tilespmem:$0x6AA0] =	vst v63  }
.LBB2_9:
0x71: {  	_ =	swait.ge [sflag:s8], $0x3200  }
0x72: {  	[sflag:s8] =	ssyncset.done $0x0  }
0x73: {  	s0 =	sadd.s32 s31, s17;
	[sflag:s8] =	ssyncadd.s32 $0xFFFFCE00  }
0x74: {  	[hbm4b:s0+s3] =	stream.linear.scatter [tilespmem:s30], [sflag:$0x5], $0x640, $0x38;
	[tilespmem:$0x6AA0] =	vst v63  }
0x75: {  	s9 =	simm.s32 $0xCE0;
	s0 =	sadd.s32 s31, s25  }
0x76: {  	[hbm4b:s0+s3] =	stream.linear.scatter [tilespmem:s9], [sflag:$0x5], $0x640, $0x38;
	[tilespmem:$0x6AA0] =	vst v63  }
0x77: {  	s9 =	sadd.s32 s31, s24  }
0x78: {  	[hbm4b:s9+s3] =	stream.linear.scatter [tilespmem:s10], [sflag:$0x5], $0x640, $0x38;
	[tilespmem:$0x6AA0] =	vst v63  }
0x79: {  	s9 =	sadd.s32 s31, s23  }
0x7a: {  	[hbm4b:s9+s3] =	stream.linear.scatter [tilespmem:s11], [sflag:$0x5], $0x640, $0x38;
	[tilespmem:$0x6AA0] =	vst v63  }
0x7b: {  	s9 =	sadd.s32 s31, s22  }
0x7c: {  	[hbm4b:s9+s3] =	stream.linear.scatter [tilespmem:s12], [sflag:$0x5], $0x640, $0x38;
	[tilespmem:$0x6AA0] =	vst v63  }
0x7d: {  	s9 =	sadd.s32 s31, s21  }
0x7e: {  	[hbm4b:s9+s3] =	stream.linear.scatter [tilespmem:s13], [sflag:$0x5], $0x640, $0x38;
	[tilespmem:$0x6AA0] =	vst v63  }
0x7f: {  	s9 =	sadd.s32 s31, s20  }
0x80: {  	[hbm4b:s9+s3] =	stream.linear.scatter [tilespmem:s5], [sflag:$0x5], $0x640, $0x38;
	[tilespmem:$0x6AA0] =	vst v63  }
0x81: {  	s9 =	sadd.s32 s31, s19;
	s31 =	sadd.s32 $0xC80, s31  }
0x82: {  	p0 =	sne.s32 s31, $0x19000  }
.Ltmp3:
0x83: {  	_ = 	snop;
	(pc) =	sbr.rel @!p0 .LBB2_10-.Ltmp3, $3  }
0x84: {  	_ =	sdelay $0x1  }
0x85: {  	s29 =	sadd.s32 $0x70, s29;
	s16 =	sadd.s32 $0x6400, s16  }
0x86: {  	[hbm4b:s9+s3] =	stream.linear.scatter [tilespmem:s14], [sflag:$0x5], $0x640, $0x38;
	[tilespmem:$0x6AA0] =	vst v63  }
.LBB2_2:
0x87: {  	_ =	swait.ge [sflag:s26], $0x1C0  }
0x88: {  	[sflag:s26] =	ssyncset.done $0x0  }
0x89: {  	[sflag:s26] =	ssyncadd.s32 $0xFFFFFE40  }
0x8a: {  	v0 =	vld [tilespmem:$0x0]  }
0x8b: {  	v1 =	vld [tilespmem:$0x10]  }
0x8c: {  	v2 =	vld [tilespmem:$0x20]  }
0x8d: {  	v4 =	vld [tilespmem:$0x38]  }
0x8e: {  	v37 =	vld [tilespmem:$0x48]  }
0x8f: {  	v38 =	vld [tilespmem:$0x58];
	[tilespmem:$0x380] =	vst v0  }
0x90: {  	v40 =	vld [tilespmem:$0x70];
	[tilespmem:$0x390] =	vst v1  }
0x91: {  	v41 =	vld [tilespmem:$0x80];
	[tilespmem:$0x3A0] =	vst v2  }
0x92: {  	v42 =	vld [tilespmem:$0x90];
	[tilespmem:$0x3B2] =	vst v4  }
0x93: {  	v44 =	vld [tilespmem:$0xA8];
	[tilespmem:$0x3C2] =	vst v37  }
0x94: {  	v45 =	vld [tilespmem:$0xB8];
	[tilespmem:$0x3D2] =	vst v38  }
0x95: {  	v46 =	vld [tilespmem:$0xC8];
	[tilespmem:$0x3E4] =	vst v40  }
0x96: {  	v48 =	vld [tilespmem:$0xE0];
	[tilespmem:$0x3F4] =	vst v41  }
0x97: {  	v49 =	vld [tilespmem:$0xF0];
	[tilespmem:$0x404] =	vst v42  }
0x98: {  	v50 =	vld [tilespmem:$0x100];
	[tilespmem:$0x416] =	vst v44  }
0x99: {  	v52 =	vld [tilespmem:$0x118];
	[tilespmem:$0x426] =	vst v45  }
0x9a: {  	v53 =	vld [tilespmem:$0x128];
	[tilespmem:$0x436] =	vst v46  }
0x9b: {  	v54 =	vld [tilespmem:$0x138];
	[tilespmem:$0x448] =	vst v48  }
0x9c: {  	v56 =	vld [tilespmem:$0x150];
	[tilespmem:$0x458] =	vst v49  }
0x9d: {  	v57 =	vld [tilespmem:$0x160];
	[tilespmem:$0x468] =	vst v50  }
0x9e: {  	v58 =	vld [tilespmem:$0x170];
	[tilespmem:$0x47A] =	vst v52  }
0x9f: {  	v60 =	vld [tilespmem:$0x188];
	[tilespmem:$0x48A] =	vst v53  }
0xa0: {  	v61 =	vld [tilespmem:$0x198];
	[tilespmem:$0x49A] =	vst v54  }
0xa1: {  	v62 =	vld [tilespmem:$0x1A8];
	[tilespmem:$0x4AC] =	vst v56  }
0xa2: {  	v3 =	vld [tilespmem:$0x22];
	[tilespmem:$0x4BC] =	vst v57  }
0xa3: {  	v39 =	vld [tilespmem:$0x5A];
	[tilespmem:$0x4CC] =	vst v58  }
0xa4: {  	v43 =	vld [tilespmem:$0x92];
	[tilespmem:$0x4DE] =	vst v60  }
0xa5: {  	v47 =	vld [tilespmem:$0xCA];
	[tilespmem:$0x4EE] =	vst v61  }
0xa6: {  	v51 =	vld [tilespmem:$0x102];
	[tilespmem:$0x4FE] =	vst v62  }
0xa7: {  	v55 =	vld [tilespmem:$0x13A];
	[tilespmem:$0x3A2] =	vst v3  }
0xa8: {  	v59 =	vld [tilespmem:$0x172];
	[tilespmem:$0x3D4] =	vst v39  }
0xa9: {  	p0 =	seq.s32 s31, $0x0;
	v63 =	vld [tilespmem:$0x1AA];
	[tilespmem:$0x406] =	vst v43  }
.Ltmp4:
0xaa: {  	[tilespmem:$0x438] =	vst v47;
	(pc) =	sbr.rel @p0 .LBB2_4-.Ltmp4, $4  }
0xab: {  	[tilespmem:$0x46A] =	vst v51  }
0xac: {  	[tilespmem:$0x49C] =	vst v55  }
0xad: {  	[tilespmem:$0x4CE] =	vst v59  }
0xae: {  	[tilespmem:$0x500] =	vst v63  }
0xaf: {  	_ =	swait.ge [sflag:s18], $0x640  }
0xb0: {  	[sflag:s18] =	ssyncset.done $0x0  }
0xb1: {  	[sflag:s18] =	ssyncadd.s32 $0xFFFFF9C0  }
0xb2: {  	_ =	swait.ge [sflag:s18], $0x640  }
0xb3: {  	[sflag:s18] =	ssyncset.done $0x0  }
0xb4: {  	[sflag:s18] =	ssyncadd.s32 $0xFFFFF9C0  }
0xb5: {  	_ =	swait.ge [sflag:s18], $0x640  }
0xb6: {  	[sflag:s18] =	ssyncset.done $0x0  }
0xb7: {  	[sflag:s18] =	ssyncadd.s32 $0xFFFFF9C0  }
0xb8: {  	_ =	swait.ge [sflag:s18], $0x640  }
0xb9: {  	[sflag:s18] =	ssyncset.done $0x0  }
0xba: {  	[sflag:s18] =	ssyncadd.s32 $0xFFFFF9C0  }
0xbb: {  	_ =	swait.ge [sflag:s18], $0x640  }
0xbc: {  	[sflag:s18] =	ssyncset.done $0x0  }
0xbd: {  	[sflag:s18] =	ssyncadd.s32 $0xFFFFF9C0  }
0xbe: {  	_ =	swait.ge [sflag:s18], $0x640  }
0xbf: {  	[sflag:s18] =	ssyncset.done $0x0  }
0xc0: {  	[sflag:s18] =	ssyncadd.s32 $0xFFFFF9C0  }
0xc1: {  	_ =	swait.ge [sflag:s18], $0x640  }
0xc2: {  	[sflag:s18] =	ssyncset.done $0x0  }
0xc3: {  	[sflag:s18] =	ssyncadd.s32 $0xFFFFF9C0  }
0xc4: {  	_ =	swait.ge [sflag:s18], $0x640  }
0xc5: {  	[sflag:s18] =	ssyncset.done $0x0  }
0xc6: {  	s0 =	simm.s32 $0x380;
	[sflag:s18] =	ssyncadd.s32 $0xFFFFF9C0  }
0xc7: {  	[tilespmem:s30], [sflag:$0x3] =	stream.indirect.gather [hbm4b:s4+s28], $0x20, s0, s28, $0xb8;
	[tilespmem:$0x6AA0] =	vst v63  }
0xc8: {  	s9 =	simm.s32 $0x1C0;
	s0 =	sadd.s32 $0xFFFFFFC8, s29  }
0xc9: {  	[tilespmem:s9], [sflag:$0x2] =	stream.linear.gather [hbm4b:s0+s3], $0x1C0, $0x38;
	[tilespmem:$0x6AA0] =	vst v63  }
0xca: {  	_ =	swait.ge [sflag:s15], $0x3200  }
0xcb: {  	s9 =	sadd.s32 s31, s17;
	[sflag:s15] =	ssyncset.done $0x0  }
0xcc: {  	s0 =	sadd.s32 $0xFFFFF9C0, s9;
	s9 =	sadd.s32 $0xFFFFE700, s16;
	[sflag:s15] =	ssyncadd.s32 $0xFFFFCE00  }
0xcd: {  	[hbm4b:s0+s3] =	stream.linear.scatter [tilespmem:s7], [sflag:$0x6], $0x640, $0x38;
	[tilespmem:$0x6AA0] =	vst v63  }
0xce: {  	s0 =	sshrl.u32 s9, $0x3  }
0xcf: {  	s9 =	simm.s32 $0x3EE0;
	s0 =	sadd.s32 s2, s0  }
0xd0: {  	[hbm4b:s0+s3] =	stream.linear.scatter [tilespmem:s9], [sflag:$0x6], $0x640, $0x38;
	[tilespmem:$0x6AA0] =	vst v63  }
0xd1: {  	s9 =	sadd.s32 $0xFFFFED40, s16  }
0xd2: {  	s0 =	sshrl.u32 s9, $0x3  }
0xd3: {  	s9 =	simm.s32 $0x4520;
	s0 =	sadd.s32 s2, s0  }
0xd4: {  	[hbm4b:s0+s3] =	stream.linear.scatter [tilespmem:s9], [sflag:$0x6], $0x640, $0x38;
	[tilespmem:$0x6AA0] =	vst v63  }
0xd5: {  	s9 =	sadd.s32 $0xFFFFF380, s16  }
0xd6: {  	s0 =	sshrl.u32 s9, $0x3  }
0xd7: {  	s9 =	simm.s32 $0x4B60;
	s0 =	sadd.s32 s2, s0  }
0xd8: {  	[hbm4b:s0+s3] =	stream.linear.scatter [tilespmem:s9], [sflag:$0x6], $0x640, $0x38;
	[tilespmem:$0x6AA0] =	vst v63  }
0xd9: {  	s9 =	sadd.s32 $0xFFFFF9C0, s16  }
0xda: {  	s0 =	sshrl.u32 s9, $0x3  }
0xdb: {  	s9 =	simm.s32 $0x51A0;
	s0 =	sadd.s32 s2, s0  }
0xdc: {  	[hbm4b:s0+s3] =	stream.linear.scatter [tilespmem:s9], [sflag:$0x6], $0x640, $0x38;
	[tilespmem:$0x6AA0] =	vst v63  }
0xdd: {  	s9 =	sshrl.u32 s16, $0x3  }
0xde: {  	s0 =	sadd.s32 s2, s9;
	s9 =	simm.s32 $0x57E0  }
0xdf: {  	[hbm4b:s0+s3] =	stream.linear.scatter [tilespmem:s9], [sflag:$0x6], $0x640, $0x38;
	[tilespmem:$0x6AA0] =	vst v63  }
0xe0: {  	s9 =	sadd.s32 $0x640, s16  }
0xe1: {  	s0 =	sshrl.u32 s9, $0x3  }
0xe2: {  	s9 =	simm.s32 $0x5E20;
	s0 =	sadd.s32 s2, s0  }
0xe3: {  	[hbm4b:s0+s3] =	stream.linear.scatter [tilespmem:s9], [sflag:$0x6], $0x640, $0x38;
	[tilespmem:$0x6AA0] =	vst v63  }
.Ltmp5:
0xe4: {  	_ = 	snop;
	(pc) =	sbr.rel .LBB2_5-.Ltmp5, $4  }
0xe5: {  	s9 =	sadd.s32 $0xC80, s16  }
0xe6: {  	s0 =	sshrl.u32 s9, $0x3  }
0xe7: {  	s9 =	simm.s32 $0x6460;
	s0 =	sadd.s32 s2, s0  }
0xe8: {  	[hbm4b:s0+s3] =	stream.linear.scatter [tilespmem:s9], [sflag:$0x6], $0x640, $0x38;
	[tilespmem:$0x6AA0] =	vst v63  }
.LBB2_4:
0xe9: {  	s0 =	simm.s32 $0x380  }
0xea: {  	[tilespmem:s30], [sflag:$0x3] =	stream.indirect.gather [hbm4b:s4+s28], $0x20, s0, s28, $0xb8;
	[tilespmem:$0x6AA0] =	vst v63  }
0xeb: {  	s9 =	simm.s32 $0x1C0;
	s0 =	rddreg [dreg:$0x4]  }
0xec: {  	[tilespmem:s9], [sflag:$0x2] =	stream.linear.gather [hbm4b:s0+s3], $0x1C0, $0x38;
	[tilespmem:$0x6AA0] =	vst v63  }
.LBB2_5:
0xed: {  	_ =	swait.ge [sflag:s1], $0x1C0  }
0xee: {  	[sflag:s1] =	ssyncset.done $0x0  }
0xef: {  	[sflag:s1] =	ssyncadd.s32 $0xFFFFFE40  }
0xf0: {  	v0 =	vld [tilespmem:$0x1C0]  }
0xf1: {  	v1 =	vld [tilespmem:$0x1D0]  }
0xf2: {  	v2 =	vld [tilespmem:$0x1E0]  }
0xf3: {  	v4 =	vld [tilespmem:$0x1F8]  }
0xf4: {  	v37 =	vld [tilespmem:$0x208]  }
0xf5: {  	v38 =	vld [tilespmem:$0x218];
	[tilespmem:$0x510] =	vst v0  }
0xf6: {  	v40 =	vld [tilespmem:$0x230];
	[tilespmem:$0x520] =	vst v1  }
0xf7: {  	v41 =	vld [tilespmem:$0x240];
	[tilespmem:$0x530] =	vst v2  }
0xf8: {  	v42 =	vld [tilespmem:$0x250];
	[tilespmem:$0x542] =	vst v4  }
0xf9: {  	v44 =	vld [tilespmem:$0x268];
	[tilespmem:$0x552] =	vst v37  }
0xfa: {  	v45 =	vld [tilespmem:$0x278];
	[tilespmem:$0x562] =	vst v38  }
0xfb: {  	v46 =	vld [tilespmem:$0x288];
	[tilespmem:$0x574] =	vst v40  }
0xfc: {  	v48 =	vld [tilespmem:$0x2A0];
	[tilespmem:$0x584] =	vst v41  }
0xfd: {  	v49 =	vld [tilespmem:$0x2B0];
	[tilespmem:$0x594] =	vst v42  }
0xfe: {  	v50 =	vld [tilespmem:$0x2C0];
	[tilespmem:$0x5A6] =	vst v44  }
0xff: {  	v52 =	vld [tilespmem:$0x2D8];
	[tilespmem:$0x5B6] =	vst v45  }
0x100: {  	v53 =	vld [tilespmem:$0x2E8];
	[tilespmem:$0x5C6] =	vst v46  }
0x101: {  	v54 =	vld [tilespmem:$0x2F8];
	[tilespmem:$0x5D8] =	vst v48  }
0x102: {  	v56 =	vld [tilespmem:$0x310];
	[tilespmem:$0x5E8] =	vst v49  }
0x103: {  	v57 =	vld [tilespmem:$0x320];
	[tilespmem:$0x5F8] =	vst v50  }
0x104: {  	v58 =	vld [tilespmem:$0x330];
	[tilespmem:$0x60A] =	vst v52  }
0x105: {  	v60 =	vld [tilespmem:$0x348];
	[tilespmem:$0x61A] =	vst v53  }
0x106: {  	v61 =	vld [tilespmem:$0x358];
	[tilespmem:$0x62A] =	vst v54  }
0x107: {  	v62 =	vld [tilespmem:$0x368];
	[tilespmem:$0x63C] =	vst v56  }
0x108: {  	v3 =	vld [tilespmem:$0x1E2];
	[tilespmem:$0x64C] =	vst v57  }
0x109: {  	v39 =	vld [tilespmem:$0x21A];
	[tilespmem:$0x65C] =	vst v58  }
0x10a: {  	v43 =	vld [tilespmem:$0x252];
	[tilespmem:$0x66E] =	vst v60  }
0x10b: {  	v47 =	vld [tilespmem:$0x28A];
	[tilespmem:$0x67E] =	vst v61  }
0x10c: {  	v51 =	vld [tilespmem:$0x2C2];
	[tilespmem:$0x68E] =	vst v62  }
0x10d: {  	v55 =	vld [tilespmem:$0x2FA];
	[tilespmem:$0x532] =	vst v3  }
0x10e: {  	v59 =	vld [tilespmem:$0x332];
	[tilespmem:$0x564] =	vst v39  }
0x10f: {  	p0 =	sne.s32 s31, $0x0;
	v63 =	vld [tilespmem:$0x36A];
	[tilespmem:$0x596] =	vst v43  }
.Ltmp6:
0x110: {  	[tilespmem:$0x5C8] =	vst v47;
	(pc) =	sbr.rel @!p0 .LBB2_6-.Ltmp6, $4  }
0x111: {  	[tilespmem:$0x5FA] =	vst v51  }
0x112: {  	[tilespmem:$0x62C] =	vst v55  }
0x113: {  	[tilespmem:$0x65E] =	vst v59  }
0x114: {  	[tilespmem:$0x690] =	vst v63  }
0x115: {  	_ =	swait.ge [sflag:s6], $0x640  }
0x116: {  	[sflag:s6] =	ssyncset.done $0x0  }
0x117: {  	[sflag:s6] =	ssyncadd.s32 $0xFFFFF9C0  }
0x118: {  	_ =	swait.ge [sflag:s6], $0x640  }
0x119: {  	[sflag:s6] =	ssyncset.done $0x0  }
0x11a: {  	[sflag:s6] =	ssyncadd.s32 $0xFFFFF9C0  }
0x11b: {  	_ =	swait.ge [sflag:s6], $0x640  }
0x11c: {  	[sflag:s6] =	ssyncset.done $0x0  }
0x11d: {  	[sflag:s6] =	ssyncadd.s32 $0xFFFFF9C0  }
0x11e: {  	_ =	swait.ge [sflag:s6], $0x640  }
0x11f: {  	[sflag:s6] =	ssyncset.done $0x0  }
0x120: {  	[sflag:s6] =	ssyncadd.s32 $0xFFFFF9C0  }
0x121: {  	_ =	swait.ge [sflag:s6], $0x640  }
0x122: {  	[sflag:s6] =	ssyncset.done $0x0  }
0x123: {  	[sflag:s6] =	ssyncadd.s32 $0xFFFFF9C0  }
0x124: {  	_ =	swait.ge [sflag:s6], $0x640  }
0x125: {  	[sflag:s6] =	ssyncset.done $0x0  }
0x126: {  	[sflag:s6] =	ssyncadd.s32 $0xFFFFF9C0  }
0x127: {  	_ =	swait.ge [sflag:s6], $0x640  }
0x128: {  	p0 =	seq.s32 s31, $0x18380;
	[sflag:s6] =	ssyncset.done $0x0  }
.Ltmp7:
0x129: {  	[sflag:s6] =	ssyncadd.s32 $0xFFFFF9C0;
	(pc) =	sbr.rel @p0 .LBB2_9-.Ltmp7, $4  }
.Ltmp8:
0x12a: {  	_ =	swait.ge [sflag:s6], $0x640;
	(pc) =	sbr.rel @!p0 .LBB2_8-.Ltmp8, $4  }
0x12b: {  	[sflag:s6] =	ssyncset.done $0x0  }
0x12c: {  	s0 =	simm.s32 $0x510;
	[sflag:s6] =	ssyncadd.s32 $0xFFFFF9C0  }
0x12d: {  	[tilespmem:s7], [sflag:$0x4] =	stream.indirect.gather [hbm4b:s4+s28], $0x20, s0, s28, $0xb8;
	[tilespmem:$0x6AA0] =	vst v63  }
0x12e: {  	_ = 	snop  }
.LBB2_11:
0x12f: {  	_ =	sfence.sel $0x180000  }
0x130: {  	[bflag:$0x0] =	sbarrier.arrive $0xFFFF  }
0x131: {  	_ =	strace $0x90000047  }
0x132: {  	s0 =	stileid.u32;
	[bflag:$0x2] =	sbarrier.arrive $0xFFFF  }
0x133: {  	p0 =	sne.s32 s0, $0x0;
	s0 =	rddreg [dreg:$0x2]  }
0x134: {  	s0 =	sadd.s32 @!p0 $0x100000, s0  }
0x135: {  	[sflag:s0] =	ssyncadd.tile.s32 @!p0 $0x1;
	_ =	shalt  }
.Lfunc_end2:
_tile_overlayer_lowered:
.L_overlay_start_2:
0x136: {  	(tag) =	ssettag $0x2  }
0x137: {  	s0 =	rddreg [dreg:$0x0];
	s2 =	stileid.u32  }
0x138: {  	s1 =	rddreg [dreg:$0x1];
	p0 =	sne.s32 s2, $0x0  }
0x139: {  	s3 =	rddreg [dreg:$0x2];
	[bflag:$0x3] =	sbarrier.arrive $0xFFFF;
	s2 =	simm.s32 @!p0 $0x1C07  }
0x13a: {  	[timem:s3], [sflag:s2] =	dma.local @!p0 [hbm:s0], s1  }
0x13b: {  	s0 =	simm.s32 @!p0 $0x7  }
0x13c: {  	_ =	swait.ge @!p0 [sflag:s0], s1  }
0x13d: {  	s1 =	ssub.s32 @!p0 $0x0, s1;
	[sflag:s0] =	ssyncset.done @!p0 $0x0  }
0x13e: {  	[sflag:s0] =	ssyncadd.s32 @!p0 s1  }
0x13f: {  	[bflag:$0x3] =	sbarrier.arrive $0xFFFF  }
0x140: {  	_ =	shalt  }

// kernel: sparse-core-data-format-call.cloned.1.call-start
scs
called_computation_lowered:
.L_overlay_start_0:
0x0: {  	s2 =	sld [smem:$0x3FD9]  }
0x1: {  	s3 =	sld [smem:$0x3FFE];
	_ =	sdelay $0x1  }
0x2: {  	s1 =	srdreg.scid  }
0x3: {  	s0 =	sand.u32 $0x1, s1  }
0x4: {  	s18 =	sshll.u32 s0, $0xA;
	s2 =	sadd.s32 s3, s2  }
0x5: {  	s2 =	sadd.s32 s2, s18  }
0x6: {  	[smem:$0x3FC6] =	sst s2  }
0x7: {  	_ = 	snop  }
0x8: {  	s2 =	sld [smem:$0x3FD0];
	(tm) =	ssettm $0x1  }
0x9: {  	s19 =	sld [smem:$0x3FFB];
	_ =	sdelay $0x3  }
0xa: {  	_ =	strace s19  }
0xb: {  	s3 =	sld [smem:$0x3FFC];
	_ =	sdelay $0x3  }
0xc: {  	_ =	strace s3  }
0xd: {  	s3 =	sld [smem:$0x3FFD];
	_ =	sdelay $0x3  }
0xe: {  	_ =	strace s3  }
0xf: {  	_ =	strace $0x8FFFFFFF  }
0x10: {  	s20 =	sld [smem:$0x3FDB];
	_ =	sdelay $0x1  }
0x11: {  	s4 =	simm.s32 $_scs_section_size  }
0x12: {  	s5 =	simm.s32 $_size__tile_overlayer_lowered;
	s6 =	simm.s32 $_tile_overlayer_lowered  }
0x13: {  	s23 =	simm.s32 $0x1BFF;
	s22 =	sshll.u32 s6, $0x1;
	s3 =	sadd.s32 s4, s20  }
0x14: {  	s7 =	simm.s32 $0x0;
	s21 =	sshll.u32 s5, $0x1;
	s5 =	sadd.s32 s22, s3  }
0x15: {  	[timem:s7], [sflag:s23] =	dma.local [hbm:s5], s21  }
0x16: {  	_ =	swait.ge [sflag:s23], s21  }
0x17: {  	s4 =	ssub.s32 $0x0, s21;
	[sflag:s23] =	ssyncset.done $0x0  }
0x18: {  	[sflag:s23] =	ssyncadd.s32 s4;
	_ =	sdelay $0x1  }
0x19: {  	s24 =	simm.s32 $0x1B8B  }
0x1a: {  	_ =	swait.ge [sflag:s24], $0x1  }
0x1b: {  	[sflag:s24] =	ssyncset.done $0x0  }
0x1c: {  	s26 =	simm.s32 $0x1B8E;
	s25 =	sld [smem:$0x3FFE];
	[sflag:s24] =	ssyncadd.s32 $0xFFFFFFFF  }
0x1d: {  	s27 =	simm.s32 $execute0_lowered;
	[smem:$0x3FD2] =	sst s26  }
0x1e: {  	s5 =	sshll.u32 s27, $0x1;
	_ =	strace $0x80000049;
	[dreg:$0x1] =	wrdreg $0xFFFFFFFF  }
0x1f: {  	s28 =	simm.s32 $_size_execute0_lowered;
	s3 =	sadd.s32 s3, s5;
	[dreg:$0x0] =	wrdreg $0x0  }
0x20: {  	s5 =	sshll.u32 s28, $0x1;
	[dreg:$0x2] =	wrdreg s3  }
0x21: {  	[dreg:$0x3] =	wrdreg s5  }
0x22: {  	[dreg:$0x4] =	wrdreg $0xC0  }
0x23: {  	_ =	task [dreg:s7], $0x5FFFF  }
0x24: {  	[dreg:$0x1] =	wrdreg $0xFFFFFFFF  }
0x25: {  	[dreg:$0x0] =	wrdreg $0x60  }
0x26: {  	[dreg:$0x2] =	wrdreg s25  }
0x27: {  	[dreg:$0x3] =	wrdreg s2  }
0x28: {  	[dreg:$0x4] =	wrdreg $0x9  }
0x29: {  	_ =	task.clear_ibuf [dreg:s7], $0x5FFFF;
	_ =	strace $0x90000049  }
0x2a: {  	s29 =	simm.s32 $0x9;
	_ =	strace $0x8000004B  }
0x2b: {  	_ =	swait.ge [sflag:s29], $0x1  }
0x2c: {  	[sflag:s29] =	ssyncadd.s32 $0xFFFFFFFF  }
0x2d: {  	_ =	strace $0x9000004B  }
0x2e: {  	_ =	sfence  }
0x2f: {  	s30 =	sld [smem:$0x0];
	_ =	sdelay $0x2  }
0x30: {  	s31 =	sshll.u32 s1, $0xD;
	s1 =	sshrl.u32 s1, $0x2  }
0x31: {  	s3 =	sand.u32 $0x4000, s31;
	s1 =	sadd.s32 s1, s30  }
0x32: {  	s0 =	sor.u32 s3, s0;
	s1 =	sshll.u32 s1, $0x11  }
0x33: {  	s0 =	sor.u32 s1, s0  }
0x34: {  	s0 =	sadd.s32 $0x8F2B, s0  }
0x35: {  	[sflag:s0] =	ssyncadd.remote.s32 $0x1  }
0x36: {  	_ =	sfence.sel $0xFFFF  }
0x37: {  	[dreg:$0x0] =	wrdreg $0xFFFFFFFF;
	(pc) =	sbr.abs _section_cstart, $3  }
0x38: {  	[dreg:$0x1] =	wrdreg $0xFFFFFFFF  }
0x39: {  	_ =	task.clear_ibuf [dreg:s7], $0x2FFFF;
	_ =	strace $0x9FFFFFFF  }
0x3a: {  	(tm) =	ssettm $0x7FFFFFFF  }
0x3b: {  	_ =	shalt  }
tec
execute0_lowered:
.L_overlay_start_1:
0x0: {  	(tag) =	ssettag $0x1  }
0x1: {  	s0 =	srdreg.scid  }
0x2: {  	s1 =	sshll.u32 s0, $0x4  }
0x3: {  	s0 =	stileid.u32;
	s1 =	sand.u32 $0x10, s1  }
0x4: {  	s1 =	sor.u32 s0, s1  }
0x5: {  	s6 =	rddreg [dreg:$0x0];
	s4 =	simm.s32 $0x1;
	s2 =	sshll.u32 s1, $0x7  }
0x6: {  	s7 =	simm.s32 $0x2;
	s12 =	simm.s32 $0x0;
	s1 =	ssub.s32 $0x4000, s2  }
0x7: {  	s8 =	simm.s32 $0x20000;
	s13 =	simm.s32 $0x0;
	s3 =	sand.u32 $0xF80, s1  }
0x8: {  	s9 =	simm.s32 $0x0;
	s5 =	sshrl.u32 s1, $0xC;
	p0 =	sne.s32 s3, $0x0  }
.Ltmp0:
0x9: {  	s1 =	rddreg [dreg:$0x2];
	s4 =	simm.s32 @!p0 $0x0;
	(pc) =	sbr.rel .LBB1_1-.Ltmp0, $4  }
0xa: {  	s11 =	simm.s32 $0x0;
	s3 =	rddreg [dreg:$0x1];
	s5 =	sadd.s32 s4, s5  }
0xb: {  	_ =	strace $0x8000004A;
	s4 =	simm.s32 $0x1;
	s5 =	smul.u32 $0x32, s5  }
0xc: {  	s6 =	sadd.s32 $0xA00, s6;
	s10 =	smov.u32 s2;
	[sflag:s4] =	ssyncpa.u1 $0x0  }
0xd: {  	p0 =	por $0x0, $0x0;
	[sflag:s7] =	ssyncpa.u1 $0x0;
	s7 =	sor.u32 $0x1, s5  }
.LBB1_4:
0xe: {  	s16 =	sshll.u32 s13, $0x3;
	s17 =	sand.u32 $0x78, s13  }
0xf: {  	s30 =	sand.u32 $0xF800, s13;
	s12 =	sshll.u32 s12, $0x10;
	s16 =	sand.u32 $0x3C00, s16  }
0x10: {  	s31 =	sand.u32 $0x7, s13;
	s16 =	sor.u32 s17, s16;
	s17 =	sadd.s32 s3, s30  }
0x11: {  	s13 =	sshll.u32 s31, $0x12;
	s16 =	sshrl.u32 s16, $0x3;
	s12 =	sadd.s32 s12, s17  }
0x12: {  	[tilespmem:s15+$0x0 ss:$0x81] =	vst.msk $0xffff, v0;
	s13 =	sor.u32 $0x400, s13;
	s12 =	sadd.s32 s16, s12  }
0x13: {  	[hbm4b:s12+s13] =	stream.strided.scatter [tilespmem:s14], [sflag:$0x2], $0x1000, s8, s13, $0x20;
	[tilespmem:$0x4040] =	vst v63  }
.LBB1_5:
0x14: {  	s14 =	sadd.s32 $0x1, s9  }
0x15: {  	s12 =	sadd.s32 $0x1000, s10;
	s16 =	smov.u32 s10;
	p2 =	sgt.s32 s14, $0x31  }
0x16: {  	s16 =	smov.u32 @p2 s12  }
0x17: {  	s14 =	simm.s32 @p2 $0x0;
	p2 =	sgt.s32 s16, $0x3FFF  }
0x18: {  	s16 =	smov.u32 @p2 s2;
	p2 =	sne.s32 s11, s7  }
.Ltmp1:
0x19: {  	p1 =	slt.u32 s11, $0x2;
	(pc) =	sbr.rel @!p2 .LBB1_6-.Ltmp1, $4  }
0x1a: {  	s15 =	simm.s32 @!p1 $0x2  }
0x1b: {  	s13 =	smov.u32 s10;
	p0 =	por !p0, !p0;
	_ =	swait.ge @!p1 [sflag:s15], $0x1000  }
0x1c: {  	s12 =	smov.u32 s9;
	[sflag:s15] =	ssyncset.done @!p1 $0x0;
	s9 =	smov.u32 s14  }
0x1d: {  	s11 =	sadd.s32 $0x1, s11;
	[sflag:s15] =	ssyncadd.s32 @!p1 $0xFFFFF000;
	s10 =	smov.u32 s16  }
.LBB1_1:
0x1e: {  	p1 =	sge.u32 s11, s5  }
0x1f: {  	s14 =	sand.u32 @!p1 $0x1FFFFFF, s9  }
0x20: {  	s15 =	smulhi.u32 @!p1 $0x4924925, s14;
	_ =	sdelay $0x1  }
0x21: {  	s15 =	smul.u32 @!p1 $0x38, s15  }
0x22: {  	s16 =	sxor.u32 @!p1 $0xFFFFFFFF, s11;
	s17 =	smul.u32 @!p1 $0x380, s10  }
0x23: {  	s31 =	sadd.s32 $0xFFFFFFFF, s11;
	s16 =	sshll.u32 @!p1 s16, $0xC;
	s14 =	ssub.s32 @!p1 s14, s15  }
0x24: {  	s15 =	sand.u32 @!p1 $0x1000, s16;
	s16 =	sadd.s32 @!p1 s6, s17;
	s14 =	sshll.u32 @!p1 s14, $0x4  }
0x25: {  	s17 =	simm.s32 @!p1 $0x1C00;
	s14 =	sadd.s32 @!p1 s14, s16;
	s16 =	simm.s32 @!p1 $0x20  }
0x26: {  	[tilespmem:s15], [sflag:$0x1] =	stream.strided.gather @!p1 [hbm4b:s14+s16], $0x1000, s17, s16, $0x38;
	[tilespmem:$0x4040] =	vst v63  }
0x27: {  	p1 =	sge.u32 s31, s5  }
.Ltmp2:
0x28: {  	_ = 	snop;
	(pc) =	sbr.rel @p1 .LBB1_5-.Ltmp2, $1  }
0x29: {  	_ =	sdelay $0x3  }
0x2a: {  	s14 =	simm.s32 $0x1  }
0x2b: {  	_ =	swait.ge [sflag:s4], $0x1000;
	s14 =	simm.s32 @!p0 $0x0  }
0x2c: {  	[sflag:s4] =	ssyncset.done $0x0;
	s15 =	sshll.u32 s14, $0xC  }
0x2d: {  	[sflag:s4] =	ssyncadd.s32 $0xFFFFF000;
	s18 =	sor.u32 $0x10, s15  }
0x2e: {  	s14 =	smul.u32 $0x4080, s14;
	v1 =	vld [tilespmem:s18+$0x0]  }
0x2f: {  	s30 =	sand.u32 $0x1, s11;
	v0 =	vld [tilespmem:s18+$0xFFFFFFF0]  }
0x30: {  	s15 =	smul.u32 $0x4080, s30;
	s14 =	sshrl.u32 s14, $0x2  }
0x31: {  	s16 =	sor.u32 $0x2000, s14  }
0x32: {  	s31 =	sshrl.u32 s15, $0x2;
	s15 =	sadd.s32 $0x0, s16  }
0x33: {  	s17 =	simm.s32 $0x4;
	s18 =	sadd.s32 $0x20, s18;
	s14 =	sor.u32 $0x2000, s31;
	[tilespmem:s15+$0x810 ss:$0x81] =	vst.msk $0xffff, v1  }
.LBB1_3:
0x34: {  	v1 =	vld [tilespmem:s18+$0x0];
	p1 =	sne.s32 s17, $0x1FC;
	[tilespmem:s15+$0x0 ss:$0x81] =	vst.msk $0xffff, v0;
	s15 =	smov.u32 s17;
	s17 =	sadd.s32 $0x4, s17  }
.Ltmp3:
0x35: {  	v0 =	vld [tilespmem:s18+$0xFFFFFFF0];
	(pc) =	sbr.rel @p1 .LBB1_3-.Ltmp3, $4  }
0x36: {  	_ = 	snop  }
0x37: {  	s15 =	sshra.s32 s15, $0x2  }
0x38: {  	s15 =	sadd.s32 s15, s16  }
0x39: {  	s18 =	sadd.s32 $0x20, s18;
	[tilespmem:s15+$0x810 ss:$0x81] =	vst.msk $0xffff, v1  }
.Ltmp4:
0x3a: {  	_ = 	snop;
	(pc) =	sbr.rel .LBB1_4-.Ltmp4, $1  }
0x3b: {  	_ =	sdelay $0x3  }
.LBB1_6:
0x3c: {  	_ =	sfence.sel $0x180000  }
0x3d: {  	s2 =	simm.s32 $0x1;
	[bflag:$0x0] =	sbarrier.arrive $0xFFFF  }
0x3e: {  	s31 =	simm.s32 $0x2;
	[sflag:s2] =	ssyncpa.u1 $0x1  }
0x3f: {  	[sflag:s31] =	ssyncpa.u1 $0x1  }
0x40: {  	p0 =	sne.s32 s0, $0x0;
	_ =	strace $0x9000004A  }
0x41: {  	s0 =	sadd.s32 @!p0 $0x100000, s1;
	[bflag:$0x2] =	sbarrier.arrive $0xFFFF  }
0x42: {  	[sflag:s0] =	ssyncadd.tile.s32 @!p0 $0x1;
	_ =	shalt  }
.Lfunc_end1:
_tile_overlayer_lowered:
.L_overlay_start_2:
0x43: {  	(tag) =	ssettag $0x2  }
0x44: {  	s0 =	rddreg [dreg:$0x0];
	s2 =	stileid.u32  }
0x45: {  	s1 =	rddreg [dreg:$0x1];
	p0 =	sne.s32 s2, $0x0  }
0x46: {  	s3 =	rddreg [dreg:$0x2];
	[bflag:$0x3] =	sbarrier.arrive $0xFFFF;
	s2 =	simm.s32 @!p0 $0x1C01  }
0x47: {  	[timem:s3], [sflag:s2] =	dma.local @!p0 [hbm:s0], s1  }
0x48: {  	s0 =	simm.s32 @!p0 $0x1  }
0x49: {  	_ =	swait.ge @!p0 [sflag:s0], s1  }
0x4a: {  	s1 =	ssub.s32 @!p0 $0x0, s1;
	[sflag:s0] =	ssyncset.done @!p0 $0x0  }
0x4b: {  	[sflag:s0] =	ssyncadd.s32 @!p0 s1  }
0x4c: {  	[bflag:$0x3] =	sbarrier.arrive $0xFFFF  }
0x4d: {  	_ =	shalt  }

</sc_bundles>
